<compile_context>
chip_gen: v7x
topology: tpu7x:2x2x1
jax: 0.10.2.dev20260603
libtpu: 0.0.44.dev20260713+nightly
codegen_flags: <defaults>
</compile_context>

<pallas_src>
import functools

import jax
import jax.numpy as jnp
from jax import lax
from jax.experimental import pallas as pl
from jax.experimental.pallas import tpu as pltpu
from jax.experimental.pallas import tpu_sc as plsc

N = 50000
E = 1600000
V = 11
F = 16
DEG_LANE = 11
NC = 2
NS = 16
NW = NC * NS
ROW = 400
CH = 25
CHE = CH * ROW
EPW = E // NW
NCHUNK = EPW // CHE
K = 6
DELTA = 3
N_ACC = ((N + NS - 1) // NS + 7) // 8 * 8 * NS
RPS = N_ACC // NS

NB = N // NW
NBX = N - NB * NW
L_STG = (NB + 1) * V + 7 + 32
L_STG = (L_STG + 7) // 8 * 8
X1_LEN = ((NW - 1) * NB + NBX) * V // 8 * 8 + L_STG


def _sc_build_table(x1):
    mesh = plsc.VectorSubcoreMesh(
        core_axis_name="c", subcore_axis_name="s", num_cores=NC)

    @functools.partial(
        pl.kernel,
        out_type=jax.ShapeDtypeStruct((N_ACC * F,), jnp.float32),
        mesh=mesh,
        scratch_types=[
            pltpu.VMEM((L_STG,), jnp.float32),
            pltpu.VMEM(((NB + 1) * F,), jnp.float32),
            pltpu.VMEM((64 * F,), jnp.float32),
        ],
        compiler_params=pltpu.CompilerParams(needs_layout_passes=False),
    )
    def build_kernel(x1_hbm, xp_hbm, stg, outb, zb):
        c = lax.axis_index("c")
        s = lax.axis_index("s")
        w = s * NC + c
        n0 = w * NB + jnp.minimum(w, NBX)
        w0 = n0 * V
        a0 = w0 // 8 * 8
        sh = w0 - a0
        pltpu.sync_copy(x1_hbm.at[pl.ds(a0, L_STG)], stg)
        lane = lax.broadcasted_iota(jnp.int32, (16,), 0)
        ones = jnp.full((16,), 1.0, jnp.float32)
        zero = jnp.zeros((16,), jnp.float32)

        def repack(j, carry):
            v = plsc.load_gather(stg, [sh + j * V + lane])
            rowv = jnp.where(lane < V, v, jnp.where(lane == DEG_LANE,
                                                    ones, zero))
            outb[pl.ds(j * F, F)] = rowv
            return carry

        lax.fori_loop(0, NB + 1, repack, 0)
        pltpu.sync_copy(outb.at[pl.ds(0, NB * F)],
                        xp_hbm.at[pl.ds(n0 * F, NB * F)])

        @pl.when(w < NBX)
        def _():
            pltpu.sync_copy(outb.at[pl.ds(NB * F, F)],
                            xp_hbm.at[pl.ds((n0 + NB) * F, F)])

        @pl.when(w == NW - 1)
        def _():
            def zrow(j, carry):
                zb[pl.ds(j * F, F)] = zero
                return carry
            lax.fori_loop(0, N_ACC - N, zrow, 0)
            pltpu.sync_copy(zb.at[pl.ds(0, (N_ACC - N) * F)],
                            xp_hbm.at[pl.ds(N * F, (N_ACC - N) * F)])

    return build_kernel(x1)


def _sc_segment_sum(xp2d, zeros_acc, edge2):
    mesh = plsc.VectorSubcoreMesh(
        core_axis_name="c", subcore_axis_name="s", num_cores=NC)

    @functools.partial(
        pl.kernel,
        out_type=jax.ShapeDtypeStruct((NC, N_ACC, F), jnp.float32),
        mesh=mesh,
        scratch_types=[
            pltpu.VMEM_SHARED((N_ACC, F), jnp.float32),
            pltpu.VMEM((2, CHE), jnp.int32),
            pltpu.VMEM((2, CHE), jnp.int32),
            pltpu.VMEM((K, ROW, F), jnp.float32),
            pltpu.SemaphoreType.DMA,
            pltpu.SemaphoreType.DMA,
            pltpu.SemaphoreType.DMA,
        ],
        compiler_params=pltpu.CompilerParams(use_tc_tiling_on_sc=False),
    )
    def sc_kernel(xp_hbm, zer_hbm, edge_hbm, out_hbm,
                  acc, srcv, dstv, rows, gsem, ssem, esem):
        c = lax.axis_index("c")
        s = lax.axis_index("s")
        w = s * NC + c

        def stage(k, buf):
            base = w * EPW + k * CHE
            return [pltpu.async_copy(edge_hbm.at[0, pl.ds(base, CHE)],
                                     srcv.at[buf], esem),
                    pltpu.async_copy(edge_hbm.at[1, pl.ds(base, CHE)],
                                     dstv.at[buf], esem)]

        pending = stage(0, 0)
        @pl.when(c == 0)
        def _():
            pltpu.sync_copy(xp_hbm.at[pl.ds(s * RPS, RPS)],
                            acc.at[pl.ds(s * RPS, RPS)])

        @pl.when(c == 1)
        def _():
            pltpu.sync_copy(zer_hbm.at[pl.ds(s * RPS, RPS)],
                            acc.at[pl.ds(s * RPS, RPS)])
        plsc.subcore_barrier()

        def drain(sem):
            pltpu.make_async_copy(xp_hbm.at[pl.ds(0, ROW)],
                                  rows.at[0], sem).wait()

        for k in range(NCHUNK):
            buf = k % 2
            for d in pending:
                d.wait()
            if k + 1 < NCHUNK:
                pending = stage(k + 1, 1 - buf)

            def step(j, carry, _buf=buf):
                @pl.when(j >= K)
                def _():
                    drain(ssem)
                pltpu.async_copy(
                    xp_hbm.at[srcv.at[_buf].at[pl.ds(j * ROW, ROW)]],
                    rows.at[lax.rem(j, K)], gsem)

                @pl.when(j >= DELTA)
                def _():
                    jd = j - DELTA
                    drain(gsem)
                    pltpu.async_copy(
                        rows.at[lax.rem(jd, K)],
                        acc.at[dstv.at[_buf].at[pl.ds(jd * ROW, ROW)]],
                        ssem, add=True)
                return carry

            lax.fori_loop(0, CH, step, 0)

            def epilogue(j, carry, _buf=buf):
                drain(gsem)
                pltpu.async_copy(
                    rows.at[lax.rem(j, K)],
                    acc.at[dstv.at[_buf].at[pl.ds(j * ROW, ROW)]],
                    ssem, add=True)
                return carry

            lax.fori_loop(CH - DELTA, CH, epilogue, 0)

            def flush(j, carry):
                drain(ssem)
                return carry

            lax.fori_loop(0, K, flush, 0)
        plsc.subcore_barrier()
        pltpu.sync_copy(acc.at[pl.ds(s * RPS, RPS)],
                        out_hbm.at[c, pl.ds(s * RPS, RPS)])

    return sc_kernel(xp2d, zeros_acc, edge2)


FOLD = 8
NR = N_ACC * F // 128


def _tc_head(part_f, w_big, b1_tile, watt_blk, esel, bbrd, w2_blk, b2):
    def tc_kernel(part_ref, wb_ref, b1_ref, wa_ref, es_ref, bb_ref,
                  w2_ref, b2_ref, out_ref):
        acc = part_ref[0] + part_ref[1]
        den8 = jnp.dot(acc, es_ref[...],
                       preferred_element_type=jnp.float32)
        den = jnp.dot(den8, bb_ref[...],
                      preferred_element_type=jnp.float32)
        den = jnp.maximum(den, 0.5)
        num = jnp.dot(acc, wb_ref[...], preferred_element_type=jnp.float32)
        h = jnp.maximum(num / den + b1_ref[...], 0.0)
        t8 = jnp.tanh(jnp.dot(h, wa_ref[...],
                              preferred_element_type=jnp.float32))
        rid = lax.broadcasted_iota(jnp.int32, (NR, FOLD), 0)
        cid = lax.broadcasted_iota(jnp.int32, (NR, FOLD), 1)
        valid = rid * FOLD + cid < N
        t8 = jnp.where(valid, t8, -30.0)
        m = jnp.max(t8)
        e = jnp.exp(t8 - m)
        scores = e / jnp.sum(e)
        o8 = jnp.dot(h, w2_ref[...], preferred_element_type=jnp.float32)
        out_ref[...] = o8 * scores + b2_ref[...]

    return pl.pallas_call(
        tc_kernel,
        out_shape=jax.ShapeDtypeStruct((NR, FOLD), jnp.float32),
    )(part_f, w_big, b1_tile, watt_blk, esel, bbrd, w2_blk, b2)


def kernel(x, edge_index, W1, b1, w_att, W2, b2):
    x1 = jnp.pad(x.reshape(-1), (0, X1_LEN - N * V))
    xpflat = _sc_build_table(x1)
    xp2d = xpflat.reshape(N_ACC, F)
    zeros_acc = jnp.zeros((N_ACC, F), jnp.float32)

    part = _sc_segment_sum(xp2d, zeros_acc, edge_index)

    w1p = jnp.zeros((F, F), jnp.float32).at[:11, :].set(W1)
    eye8 = jnp.eye(FOLD, dtype=jnp.float32)
    w_big = jnp.kron(eye8, w1p)
    watt_blk = jnp.kron(eye8, w_att.reshape(F, 1))
    esel = jnp.kron(eye8, jnp.zeros((F, 1), jnp.float32)
                    .at[DEG_LANE, 0].set(1.0))
    bbrd = jnp.kron(eye8, jnp.ones((1, F), jnp.float32))
    w2_blk = jnp.kron(eye8, W2)
    b1_tile = jnp.tile(b1, FOLD).reshape(1, 128)

    out = _tc_head(part.reshape(NC, NR, 128),
                   w_big, b1_tile, watt_blk, esel, bbrd, w2_blk,
                   b2.reshape(1, 1))
    return out.reshape(N_ACC)[:N]

# --- scband reference (transcript-rebuilt; emitter-appended) ---
"""Pipeline reference for scband-gnn7-27410481283376 (READ-ONLY COPY).

The authoritative reference and input builder live on the scoring server;
editing this copy changes nothing except your own understanding.
"""

import jax, jax.numpy as jnp
import numpy as np

N = 50000
E = 1600000
V_FEATS = 11
FILTERS = 16

def setup_inputs(seed: int = 0) -> dict:
    key = jax.random.key(seed)
    ks = jax.random.split(key, 8)
    x = jax.random.normal(ks[0], (N, V_FEATS), dtype=jnp.float32)
    edge_index = jax.random.randint(ks[1], (2, E), 0, N, dtype=jnp.int32)
    # learned parameters (GCN weight, self-attention vector, dense head)
    W1 = jax.random.normal(ks[2], (V_FEATS, FILTERS), dtype=jnp.float32) * (1.0 / np.sqrt(V_FEATS))
    b1 = jnp.zeros((FILTERS,), dtype=jnp.float32)
    w_att = jax.random.normal(ks[3], (FILTERS,), dtype=jnp.float32) * (1.0 / np.sqrt(FILTERS))
    W2 = jax.random.normal(ks[4], (FILTERS, 1), dtype=jnp.float32) * (1.0 / np.sqrt(FILTERS))
    b2 = jnp.zeros((1,), dtype=jnp.float32)
    return {"x": x, "edge_index": edge_index, "W1": W1, "b1": b1,
            "w_att": w_att, "W2": W2, "b2": b2}

def reference(x, edge_index, W1, b1, w_att, W2, b2):
    src = edge_index[0]
    dst = edge_index[1]
    # GCN layer: mean-aggregate neighbor features (with self loop), linear, relu
    msgs = jnp.take(x, src, axis=0)                                   # gather [E, v_feats]
    agg = jax.ops.segment_sum(msgs, dst, num_segments=N)              # scatter-add [N, v_feats]
    deg = jax.ops.segment_sum(jnp.ones((E,), jnp.float32), dst, num_segments=N)
    agg = (agg + x) / (deg[:, None] + 1.0)
    h = jax.nn.relu(agg @ W1 + b1)                                    # [N, 16]
    # SelfAttention(attention_size=16, non_linearity='tanh'):
    # scores = softmax(tanh(h @ w_att)); weighted = h * scores
    scores = jax.nn.softmax(jnp.tanh(h @ w_att))                      # [N]
    h = h * scores[:, None]                                           # [N, 16]
    # Dense(16 -> 1, linear) then squeeze dim 1
    out = h @ W2 + b2                                                 # [N, 1]
    return out[:, 0]

if __name__ == "__main__":
    import jax
    _d = setup_inputs()
    print(jax.jit(kernel)(*tuple(_d.values())))

</pallas_src>

<mosaic_0001>
#map = affine_map<(d0, d1) -> (0)>
module attributes {stable_mosaic.version = 14 : i64} {
  func.func @build_kernel(%arg0: i32, %arg1: i32, %arg2: memref<550048xf32, #tpu.memory_space<hbm>>, %arg3: memref<800768xf32, #tpu.memory_space<hbm>>, %arg4: memref<17232xf32, #tpu.memory_space<vmem>>, %arg5: memref<25008xf32, #tpu.memory_space<vmem>>, %arg6: memref<1024xf32, #tpu.memory_space<vmem>>) attributes {dimension_semantics = [#tpu.dimension_semantics<core_parallel>, #tpu.dimension_semantics<subcore_parallel>], iteration_bounds = array<i64: 2, 16>, scalar_prefetch = 0 : i64, scratch_operands = 3 : i64, tpu.core_type = #tpu.core_type<sc_vector_subcore>, window_params = [{transform_indices = #map}, {transform_indices = #map}]} {
    %mul3A = arith.constant 2 : i32
    %mul3A_0 = arith.muli %arg1, %mul3A : i32
    %add3A = arith.addi %mul3A_0, %arg0 : i32
    %mul3A_1 = arith.constant 1562 : i32
    %mul3A_2 = arith.muli %add3A, %mul3A_1 : i32
    %min3A = arith.constant 16 : i32
    %min3A_3 = arith.minsi %add3A, %min3A : i32
    %add3A_4 = arith.addi %mul3A_2, %min3A_3 : i32
    %mul3A_5 = arith.constant 11 : i32
    %mul3A_6 = arith.muli %add3A_4, %mul3A_5 : i32
    %jit3A = arith.constant 8 : i32
    %div3A = arith.divsi %mul3A_6, %jit3A : i32
    %sign3A = arith.constant 0 : i32
    %sign3A_7 = arith.cmpi sgt, %mul3A_6, %sign3A : i32
    %sign3A_8 = arith.extui %sign3A_7 : i1 to i32
    %sign3A_9 = arith.constant 0 : i32
    %sign3A_10 = arith.cmpi slt, %mul3A_6, %sign3A_9 : i32
    %sign3A_11 = arith.extui %sign3A_10 : i1 to i32
    %sign3A_12 = arith.subi %sign3A_8, %sign3A_11 : i32
    %sign3A_13 = arith.constant 0 : i32
    %sign3A_14 = arith.cmpi sgt, %jit3A, %sign3A_13 : i32
    %sign3A_15 = arith.extui %sign3A_14 : i1 to i32
    %sign3A_16 = arith.constant 0 : i32
    %sign3A_17 = arith.cmpi slt, %jit3A, %sign3A_16 : i32
    %sign3A_18 = arith.extui %sign3A_17 : i1 to i32
    %sign3A_19 = arith.subi %sign3A_15, %sign3A_18 : i32
    %ne3A = arith.cmpi ne, %sign3A_12, %sign3A_19 : i32
    %rem3A = arith.remsi %mul3A_6, %jit3A : i32
    %ne3A_20 = arith.constant 0 : i32
    %ne3A_21 = arith.cmpi ne, %rem3A, %ne3A_20 : i32
    %and3A = arith.andi %ne3A, %ne3A_21 : i1
    %sub3A = arith.constant 1 : i32
    %sub3A_22 = arith.subi %div3A, %sub3A : i32
    %select_n3A = arith.select %and3A, %sub3A_22, %div3A : i32
    %mul3A_23 = arith.constant 8 : i32
    %mul3A_24 = arith.muli %select_n3A, %mul3A_23 : i32
    %sub3A_25 = arith.subi %mul3A_6, %mul3A_24 : i32
    "tpu.region"() ({
      %run_scoped3A = tpu.sem_alloc : memref<!tpu.dma_semaphore, #tpu.memory_space<semaphore_mem>>
      %dma_start3A = tpu.memref_slice %arg2[%mul3A_24] : memref<550048xf32, #tpu.memory_space<hbm>> -> memref<17232xf32, #tpu.memory_space<hbm>>
      %dma_start3A_42 = tpu.memref_slice %arg2[%mul3A_24] : memref<550048xf32, #tpu.memory_space<hbm>> -> memref<17232xf32, #tpu.memory_space<hbm>>
      tpu.enqueue_dma source(%dma_start3A_42 : memref<17232xf32, #tpu.memory_space<hbm>>) target(%arg4 : memref<17232xf32, #tpu.memory_space<vmem>>) target_semaphore(%run_scoped3A : memref<!tpu.dma_semaphore, #tpu.memory_space<semaphore_mem>>)
      %dma_wait3A = tpu.memref_slice %arg2[%mul3A_24] : memref<550048xf32, #tpu.memory_space<hbm>> -> memref<17232xf32, #tpu.memory_space<hbm>>
      %dma_wait3A_43 = tpu.memref_slice %arg2[%mul3A_24] : memref<550048xf32, #tpu.memory_space<hbm>> -> memref<17232xf32, #tpu.memory_space<hbm>>
      tpu.wait_dma2 semaphore(%run_scoped3A : memref<!tpu.dma_semaphore, #tpu.memory_space<semaphore_mem>>) src(%dma_wait3A_43 : memref<17232xf32, #tpu.memory_space<hbm>>) dst(%arg4 : memref<17232xf32, #tpu.memory_space<vmem>>)
      tpu.yield
    }) : () -> ()
    %iota3A = tpu.iota {dimensions = array<i32: 0>} : vector<16xi32>
    %broadcast_in_dim3A = arith.constant 1.000000e+00 : f32
    %broadcast_in_dim3A_26 = vector.broadcast %broadcast_in_dim3A : f32 to vector<16xf32>
    %broadcast_in_dim3A_27 = arith.constant 0.000000e+00 : f32
    %broadcast_in_dim3A_28 = vector.broadcast %broadcast_in_dim3A_27 : f32 to vector<16xf32>
    %scan3A = arith.constant 0 : i32
    %scan3A_29 = arith.constant 0 : i32
    %scan3A_30 = arith.constant 1563 : i32
    %scan3A_31 = arith.addi %scan3A_29, %scan3A_30 : i32
    %scan3A_32 = arith.constant 1 : i32
    scf.for %scan3A_42 = %scan3A_29 to %scan3A_31 step %scan3A_32  : i32 {
      %mul3A_43 = arith.constant 11 : i32
      %mul3A_44 = arith.muli %scan3A_42, %mul3A_43 : i32
      %add3A_45 = arith.addi %sub3A_25, %mul3A_44 : i32
      %add3A_46 = vector.broadcast %add3A_45 : i32 to vector<16xi32>
      %add3A_47 = arith.addi %add3A_46, %iota3A : vector<16xi32>
      %gather3A = tpu.vector_load_idx %arg4[%add3A_47] : memref<17232xf32, #tpu.memory_space<vmem>>[vector<16xi32>], vector<16xf32>,
      %lt3A_48 = arith.constant 11 : i32
      %lt3A_49 = vector.broadcast %lt3A_48 : i32 to vector<16xi32>
      %lt3A_50 = arith.cmpi slt, %iota3A, %lt3A_49 : vector<16xi32>
      %eq3A_51 = arith.constant 11 : i32
      %eq3A_52 = vector.broadcast %eq3A_51 : i32 to vector<16xi32>
      %eq3A_53 = arith.cmpi eq, %iota3A, %eq3A_52 : vector<16xi32>
      %select_n3A_54 = arith.select %eq3A_53, %broadcast_in_dim3A_26, %broadcast_in_dim3A_28 : vector<16xi1>, vector<16xf32>
      %select_n3A_55 = arith.select %lt3A_50, %gather3A, %select_n3A_54 : vector<16xi1>, vector<16xf32>
      %mul3A_56 = arith.constant 16 : i32
      %mul3A_57 = arith.muli %scan3A_42, %mul3A_56 : i32
      %swap3A = arith.index_cast %mul3A_57 : i32 to index
      %swap3A_58 = tpu.vector_load %arg5[%swap3A] {strides = array<i32>} : memref<25008xf32, #tpu.memory_space<vmem>>, vector<16xf32>,
      tpu.vector_store %arg5[%swap3A], %select_n3A_55 {strides = array<i32>} : memref<25008xf32, #tpu.memory_space<vmem>>, vector<16xf32>,
    }
    %scan3A_33 = arith.constant 1563 : i32
    %mul3A_34 = arith.constant 16 : i32
    %mul3A_35 = arith.muli %add3A_4, %mul3A_34 : i32
    "tpu.region"() ({
      %run_scoped3A = tpu.sem_alloc : memref<!tpu.dma_semaphore, #tpu.memory_space<semaphore_mem>>
      %dma_start3A = arith.constant 0 : i32
      %dma_start3A_42 = tpu.memref_slice %arg5[%dma_start3A] : memref<25008xf32, #tpu.memory_space<vmem>> -> memref<24992xf32, #tpu.memory_space<vmem>>
      %dma_start3A_43 = tpu.memref_slice %arg3[%mul3A_35] : memref<800768xf32, #tpu.memory_space<hbm>> -> memref<24992xf32, #tpu.memory_space<hbm>>
      %dma_start3A_44 = tpu.memref_slice %arg3[%mul3A_35] : memref<800768xf32, #tpu.memory_space<hbm>> -> memref<24992xf32, #tpu.memory_space<hbm>>
      %dma_start3A_45 = arith.constant 0 : i32
      %dma_start3A_46 = tpu.memref_slice %arg5[%dma_start3A_45] : memref<25008xf32, #tpu.memory_space<vmem>> -> memref<24992xf32, #tpu.memory_space<vmem>>
      tpu.enqueue_dma source(%dma_start3A_46 : memref<24992xf32, #tpu.memory_space<vmem>>) target(%dma_start3A_44 : memref<24992xf32, #tpu.memory_space<hbm>>) target_semaphore(%run_scoped3A : memref<!tpu.dma_semaphore, #tpu.memory_space<semaphore_mem>>)
      %dma_wait3A = arith.constant 0 : i32
      %dma_wait3A_47 = tpu.memref_slice %arg5[%dma_wait3A] : memref<25008xf32, #tpu.memory_space<vmem>> -> memref<24992xf32, #tpu.memory_space<vmem>>
      %dma_wait3A_48 = tpu.memref_slice %arg3[%mul3A_35] : memref<800768xf32, #tpu.memory_space<hbm>> -> memref<24992xf32, #tpu.memory_space<hbm>>
      %dma_wait3A_49 = tpu.memref_slice %arg3[%mul3A_35] : memref<800768xf32, #tpu.memory_space<hbm>> -> memref<24992xf32, #tpu.memory_space<hbm>>
      %dma_wait3A_50 = arith.constant 0 : i32
      %dma_wait3A_51 = tpu.memref_slice %arg5[%dma_wait3A_50] : memref<25008xf32, #tpu.memory_space<vmem>> -> memref<24992xf32, #tpu.memory_space<vmem>>
      tpu.wait_dma2 semaphore(%run_scoped3A : memref<!tpu.dma_semaphore, #tpu.memory_space<semaphore_mem>>) src(%dma_wait3A_51 : memref<24992xf32, #tpu.memory_space<vmem>>) dst(%dma_wait3A_49 : memref<24992xf32, #tpu.memory_space<hbm>>)
      tpu.yield
    }) : () -> ()
    %lt3A = arith.constant 16 : i32
    %lt3A_36 = arith.cmpi slt, %add3A, %lt3A : i32
    %convert_element_type3A = arith.extui %lt3A_36 : i1 to i32
    %cond3A = arith.constant 0 : i32
    %cond3A_37 = arith.cmpi ne, %convert_element_type3A, %cond3A : i32
    scf.if %cond3A_37 {
      %add3A_42 = arith.constant 1562 : i32
      %add3A_43 = arith.addi %add3A_4, %add3A_42 : i32
      %mul3A_44 = arith.constant 16 : i32
      %mul3A_45 = arith.muli %add3A_43, %mul3A_44 : i32
      "tpu.region"() ({
        %run_scoped3A = tpu.sem_alloc : memref<!tpu.dma_semaphore, #tpu.memory_space<semaphore_mem>>
        %dma_start3A = arith.constant 24992 : i32
        %dma_start3A_46 = tpu.memref_slice %arg5[%dma_start3A] : memref<25008xf32, #tpu.memory_space<vmem>> -> memref<16xf32, #tpu.memory_space<vmem>>
        %dma_start3A_47 = tpu.memref_slice %arg3[%mul3A_45] : memref<800768xf32, #tpu.memory_space<hbm>> -> memref<16xf32, #tpu.memory_space<hbm>>
        %dma_start3A_48 = tpu.memref_slice %arg3[%mul3A_45] : memref<800768xf32, #tpu.memory_space<hbm>> -> memref<16xf32, #tpu.memory_space<hbm>>
        %dma_start3A_49 = arith.constant 24992 : i32
        %dma_start3A_50 = tpu.memref_slice %arg5[%dma_start3A_49] : memref<25008xf32, #tpu.memory_space<vmem>> -> memref<16xf32, #tpu.memory_space<vmem>>
        tpu.enqueue_dma source(%dma_start3A_50 : memref<16xf32, #tpu.memory_space<vmem>>) target(%dma_start3A_48 : memref<16xf32, #tpu.memory_space<hbm>>) target_semaphore(%run_scoped3A : memref<!tpu.dma_semaphore, #tpu.memory_space<semaphore_mem>>)
        %dma_wait3A = arith.constant 24992 : i32
        %dma_wait3A_51 = tpu.memref_slice %arg5[%dma_wait3A] : memref<25008xf32, #tpu.memory_space<vmem>> -> memref<16xf32, #tpu.memory_space<vmem>>
        %dma_wait3A_52 = tpu.memref_slice %arg3[%mul3A_45] : memref<800768xf32, #tpu.memory_space<hbm>> -> memref<16xf32, #tpu.memory_space<hbm>>
        %dma_wait3A_53 = tpu.memref_slice %arg3[%mul3A_45] : memref<800768xf32, #tpu.memory_space<hbm>> -> memref<16xf32, #tpu.memory_space<hbm>>
        %dma_wait3A_54 = arith.constant 24992 : i32
        %dma_wait3A_55 = tpu.memref_slice %arg5[%dma_wait3A_54] : memref<25008xf32, #tpu.memory_space<vmem>> -> memref<16xf32, #tpu.memory_space<vmem>>
        tpu.wait_dma2 semaphore(%run_scoped3A : memref<!tpu.dma_semaphore, #tpu.memory_space<semaphore_mem>>) src(%dma_wait3A_55 : memref<16xf32, #tpu.memory_space<vmem>>) dst(%dma_wait3A_53 : memref<16xf32, #tpu.memory_space<hbm>>)
        tpu.yield
      }) : () -> ()
    } else {
    }
    %eq3A = arith.constant 31 : i32
    %eq3A_38 = arith.cmpi eq, %add3A, %eq3A : i32
    %convert_element_type3A_39 = arith.extui %eq3A_38 : i1 to i32
    %cond3A_40 = arith.constant 0 : i32
    %cond3A_41 = arith.cmpi ne, %convert_element_type3A_39, %cond3A_40 : i32
    scf.if %cond3A_41 {
      %scan3A_42 = arith.constant 0 : i32
      %scan3A_43 = arith.constant 0 : i32
      %scan3A_44 = arith.constant 48 : i32
      %scan3A_45 = arith.addi %scan3A_43, %scan3A_44 : i32
      %scan3A_46 = arith.constant 1 : i32
      scf.for %scan3A_48 = %scan3A_43 to %scan3A_45 step %scan3A_46  : i32 {
        %mul3A_49 = arith.constant 16 : i32
        %mul3A_50 = arith.muli %scan3A_48, %mul3A_49 : i32
        %swap3A = arith.index_cast %mul3A_50 : i32 to index
        %swap3A_51 = tpu.vector_load %arg6[%swap3A] {strides = array<i32>} : memref<1024xf32, #tpu.memory_space<vmem>>, vector<16xf32>,
        tpu.vector_store %arg6[%swap3A], %broadcast_in_dim3A_28 {strides = array<i32>} : memref<1024xf32, #tpu.memory_space<vmem>>, vector<16xf32>,
      }
      %scan3A_47 = arith.constant 48 : i32
      "tpu.region"() ({
        %run_scoped3A = tpu.sem_alloc : memref<!tpu.dma_semaphore, #tpu.memory_space<semaphore_mem>>
        %dma_start3A = arith.constant 0 : i32
        %dma_start3A_48 = tpu.memref_slice %arg6[%dma_start3A] : memref<1024xf32, #tpu.memory_space<vmem>> -> memref<768xf32, #tpu.memory_space<vmem>>
        %dma_start3A_49 = arith.constant 800000 : i32
        %dma_start3A_50 = tpu.memref_slice %arg3[%dma_start3A_49] : memref<800768xf32, #tpu.memory_space<hbm>> -> memref<768xf32, #tpu.memory_space<hbm>>
        %dma_start3A_51 = arith.constant 800000 : i32
        %dma_start3A_52 = tpu.memref_slice %arg3[%dma_start3A_51] : memref<800768xf32, #tpu.memory_space<hbm>> -> memref<768xf32, #tpu.memory_space<hbm>>
        %dma_start3A_53 = arith.constant 0 : i32
        %dma_start3A_54 = tpu.memref_slice %arg6[%dma_start3A_53] : memref<1024xf32, #tpu.memory_space<vmem>> -> memref<768xf32, #tpu.memory_space<vmem>>
        tpu.enqueue_dma source(%dma_start3A_54 : memref<768xf32, #tpu.memory_space<vmem>>) target(%dma_start3A_52 : memref<768xf32, #tpu.memory_space<hbm>>) target_semaphore(%run_scoped3A : memref<!tpu.dma_semaphore, #tpu.memory_space<semaphore_mem>>)
        %dma_wait3A = arith.constant 0 : i32
        %dma_wait3A_55 = tpu.memref_slice %arg6[%dma_wait3A] : memref<1024xf32, #tpu.memory_space<vmem>> -> memref<768xf32, #tpu.memory_space<vmem>>
        %dma_wait3A_56 = arith.constant 800000 : i32
        %dma_wait3A_57 = tpu.memref_slice %arg3[%dma_wait3A_56] : memref<800768xf32, #tpu.memory_space<hbm>> -> memref<768xf32, #tpu.memory_space<hbm>>
        %dma_wait3A_58 = arith.constant 800000 : i32
        %dma_wait3A_59 = tpu.memref_slice %arg3[%dma_wait3A_58] : memref<800768xf32, #tpu.memory_space<hbm>> -> memref<768xf32, #tpu.memory_space<hbm>>
        %dma_wait3A_60 = arith.constant 0 : i32
        %dma_wait3A_61 = tpu.memref_slice %arg6[%dma_wait3A_60] : memref<1024xf32, #tpu.memory_space<vmem>> -> memref<768xf32, #tpu.memory_space<vmem>>
        tpu.wait_dma2 semaphore(%run_scoped3A : memref<!tpu.dma_semaphore, #tpu.memory_space<semaphore_mem>>) src(%dma_wait3A_61 : memref<768xf32, #tpu.memory_space<vmem>>) dst(%dma_wait3A_59 : memref<768xf32, #tpu.memory_space<hbm>>)
        tpu.yield
      }) : () -> ()
    } else {
    }
    return
  }
}

#map = affine_map<(d0, d1) -> (0, 0)>
#map1 = affine_map<(d0, d1) -> (0, 0, 0)>
module attributes {stable_mosaic.version = 14 : i64} {
  func.func @sc_kernel(%arg0: i32, %arg1: i32, %arg2: memref<50048x16xf32, #tpu.memory_space<hbm>>, %arg3: memref<50048x16xf32, #tpu.memory_space<hbm>>, %arg4: memref<2x1600000xi32, #tpu.memory_space<hbm>>, %arg5: memref<2x50048x16xf32, #tpu.memory_space<hbm>>, %arg6: memref<50048x16xf32, #tpu.memory_space<vmem_shared>>, %arg7: memref<2x10000xi32, #tpu.memory_space<vmem>>, %arg8: memref<2x10000xi32, #tpu.memory_space<vmem>>, %arg9: memref<6x400x16xf32, #tpu.memory_space<vmem>>, %arg10: memref<!tpu.dma_semaphore, #tpu.memory_space<semaphore_mem>>, %arg11: memref<!tpu.dma_semaphore, #tpu.memory_space<semaphore_mem>>, %arg12: memref<!tpu.dma_semaphore, #tpu.memory_space<semaphore_mem>>) attributes {dimension_semantics = [#tpu.dimension_semantics<core_parallel>, #tpu.dimension_semantics<subcore_parallel>], iteration_bounds = array<i64: 2, 16>, scalar_prefetch = 0 : i64, scratch_operands = 7 : i64, tpu.core_type = #tpu.core_type<sc_vector_subcore>, window_params = [{transform_indices = #map}, {transform_indices = #map}, {transform_indices = #map}, {transform_indices = #map1}]} {
    %mul3A = arith.constant 2 : i32
    %mul3A_0 = arith.muli %arg1, %mul3A : i32
    %add3A = arith.addi %mul3A_0, %arg0 : i32
    %mul3A_1 = arith.constant 50000 : i32
    %mul3A_2 = arith.muli %add3A, %mul3A_1 : i32
    %add3A_3 = arith.constant 0 : i32
    %add3A_4 = arith.addi %mul3A_2, %add3A_3 : i32
    %dma_start3A = arith.constant 0 : i32
    %dma_start3A_5 = arith.constant 0 : i32
    %dma_start3A_6 = arith.constant 0 : i32
    %dma_start3A_7 = tpu.memref_slice %arg7[%dma_start3A_5, %dma_start3A_6] : memref<2x10000xi32, #tpu.memory_space<vmem>> -> memref<1x10000xi32, #tpu.memory_space<vmem>>
    %dma_start3A_8 = tpu.memref_squeeze %dma_start3A_7 : memref<1x10000xi32, #tpu.memory_space<vmem>> -> memref<10000xi32, #tpu.memory_space<vmem>>
    %dma_start3A_9 = tpu.memref_slice %arg4[%dma_start3A, %add3A_4] : memref<2x1600000xi32, #tpu.memory_space<hbm>> -> memref<1x10000xi32, #tpu.memory_space<hbm>>
    %dma_start3A_10 = tpu.memref_squeeze %dma_start3A_9 : memref<1x10000xi32, #tpu.memory_space<hbm>> -> memref<10000xi32, #tpu.memory_space<hbm>>
    %dma_start3A_11 = arith.constant 0 : i32
    %dma_start3A_12 = tpu.memref_slice %arg7[%dma_start3A_5, %dma_start3A_11] : memref<2x10000xi32, #tpu.memory_space<vmem>> -> memref<1x10000xi32, #tpu.memory_space<vmem>>
    %dma_start3A_13 = tpu.memref_squeeze %dma_start3A_12 : memref<1x10000xi32, #tpu.memory_space<vmem>> -> memref<10000xi32, #tpu.memory_space<vmem>>
    %dma_start3A_14 = tpu.memref_slice %arg4[%dma_start3A, %add3A_4] : memref<2x1600000xi32, #tpu.memory_space<hbm>> -> memref<1x10000xi32, #tpu.memory_space<hbm>>
    %dma_start3A_15 = tpu.memref_squeeze %dma_start3A_14 : memref<1x10000xi32, #tpu.memory_space<hbm>> -> memref<10000xi32, #tpu.memory_space<hbm>>
    tpu.enqueue_dma source(%dma_start3A_15 : memref<10000xi32, #tpu.memory_space<hbm>>) target(%dma_start3A_13 : memref<10000xi32, #tpu.memory_space<vmem>>) target_semaphore(%arg12 : memref<!tpu.dma_semaphore, #tpu.memory_space<semaphore_mem>>)
    %dma_start3A_16 = arith.constant 1 : i32
    %dma_start3A_17 = arith.constant 0 : i32
    %dma_start3A_18 = arith.constant 0 : i32
    %dma_start3A_19 = tpu.memref_slice %arg8[%dma_start3A_17, %dma_start3A_18] : memref<2x10000xi32, #tpu.memory_space<vmem>> -> memref<1x10000xi32, #tpu.memory_space<vmem>>
    %dma_start3A_20 = tpu.memref_squeeze %dma_start3A_19 : memref<1x10000xi32, #tpu.memory_space<vmem>> -> memref<10000xi32, #tpu.memory_space<vmem>>
    %dma_start3A_21 = tpu.memref_slice %arg4[%dma_start3A_16, %add3A_4] : memref<2x1600000xi32, #tpu.memory_space<hbm>> -> memref<1x10000xi32, #tpu.memory_space<hbm>>
    %dma_start3A_22 = tpu.memref_squeeze %dma_start3A_21 : memref<1x10000xi32, #tpu.memory_space<hbm>> -> memref<10000xi32, #tpu.memory_space<hbm>>
    %dma_start3A_23 = arith.constant 0 : i32
    %dma_start3A_24 = tpu.memref_slice %arg8[%dma_start3A_17, %dma_start3A_23] : memref<2x10000xi32, #tpu.memory_space<vmem>> -> memref<1x10000xi32, #tpu.memory_space<vmem>>
    %dma_start3A_25 = tpu.memref_squeeze %dma_start3A_24 : memref<1x10000xi32, #tpu.memory_space<vmem>> -> memref<10000xi32, #tpu.memory_space<vmem>>
    %dma_start3A_26 = tpu.memref_slice %arg4[%dma_start3A_16, %add3A_4] : memref<2x1600000xi32, #tpu.memory_space<hbm>> -> memref<1x10000xi32, #tpu.memory_space<hbm>>
    %dma_start3A_27 = tpu.memref_squeeze %dma_start3A_26 : memref<1x10000xi32, #tpu.memory_space<hbm>> -> memref<10000xi32, #tpu.memory_space<hbm>>
    tpu.enqueue_dma source(%dma_start3A_27 : memref<10000xi32, #tpu.memory_space<hbm>>) target(%dma_start3A_25 : memref<10000xi32, #tpu.memory_space<vmem>>) target_semaphore(%arg12 : memref<!tpu.dma_semaphore, #tpu.memory_space<semaphore_mem>>)
    %eq3A = arith.constant 0 : i32
    %eq3A_28 = arith.cmpi eq, %arg0, %eq3A : i32
    %convert_element_type3A = arith.extui %eq3A_28 : i1 to i32
    %cond3A = arith.constant 0 : i32
    %cond3A_29 = arith.cmpi ne, %convert_element_type3A, %cond3A : i32
    scf.if %cond3A_29 {
      %mul3A_360 = arith.constant 3128 : i32
      %mul3A_361 = arith.muli %arg1, %mul3A_360 : i32
      %mul3A_362 = arith.constant 3128 : i32
      %mul3A_363 = arith.muli %arg1, %mul3A_362 : i32
      "tpu.region"() ({
        %run_scoped3A = tpu.sem_alloc : memref<!tpu.dma_semaphore, #tpu.memory_space<semaphore_mem>>
        %dma_start3A_364 = arith.constant 0 : i32
        %dma_start3A_365 = tpu.memref_slice %arg6[%mul3A_363, %dma_start3A_364] : memref<50048x16xf32, #tpu.memory_space<vmem_shared>> -> memref<3128x16xf32, #tpu.memory_space<vmem_shared>>
        %dma_start3A_366 = arith.constant 0 : i32
        %dma_start3A_367 = tpu.memref_slice %arg2[%mul3A_361, %dma_start3A_366] : memref<50048x16xf32, #tpu.memory_space<hbm>> -> memref<3128x16xf32, #tpu.memory_space<hbm>>
        tpu.enqueue_dma source(%dma_start3A_367 : memref<3128x16xf32, #tpu.memory_space<hbm>>) target(%dma_start3A_365 : memref<3128x16xf32, #tpu.memory_space<vmem_shared>>) target_semaphore(%run_scoped3A : memref<!tpu.dma_semaphore, #tpu.memory_space<semaphore_mem>>)
        %dma_wait3A_368 = arith.constant 0 : i32
        %dma_wait3A_369 = tpu.memref_slice %arg6[%mul3A_363, %dma_wait3A_368] : memref<50048x16xf32, #tpu.memory_space<vmem_shared>> -> memref<3128x16xf32, #tpu.memory_space<vmem_shared>>
        %dma_wait3A_370 = arith.constant 0 : i32
        %dma_wait3A_371 = tpu.memref_slice %arg2[%mul3A_361, %dma_wait3A_370] : memref<50048x16xf32, #tpu.memory_space<hbm>> -> memref<3128x16xf32, #tpu.memory_space<hbm>>
        tpu.wait_dma2 semaphore(%run_scoped3A : memref<!tpu.dma_semaphore, #tpu.memory_space<semaphore_mem>>) src(%dma_wait3A_371 : memref<3128x16xf32, #tpu.memory_space<hbm>>) dst(%dma_wait3A_369 : memref<3128x16xf32, #tpu.memory_space<vmem_shared>>)
        tpu.yield
      }) : () -> ()
    } else {
    }
    %eq3A_30 = arith.constant 1 : i32
    %eq3A_31 = arith.cmpi eq, %arg0, %eq3A_30 : i32
    %convert_element_type3A_32 = arith.extui %eq3A_31 : i1 to i32
    %cond3A_33 = arith.constant 0 : i32
    %cond3A_34 = arith.cmpi ne, %convert_element_type3A_32, %cond3A_33 : i32
    scf.if %cond3A_34 {
      %mul3A_360 = arith.constant 3128 : i32
      %mul3A_361 = arith.muli %arg1, %mul3A_360 : i32
      %mul3A_362 = arith.constant 3128 : i32
      %mul3A_363 = arith.muli %arg1, %mul3A_362 : i32
      "tpu.region"() ({
        %run_scoped3A = tpu.sem_alloc : memref<!tpu.dma_semaphore, #tpu.memory_space<semaphore_mem>>
        %dma_start3A_364 = arith.constant 0 : i32
        %dma_start3A_365 = tpu.memref_slice %arg6[%mul3A_363, %dma_start3A_364] : memref<50048x16xf32, #tpu.memory_space<vmem_shared>> -> memref<3128x16xf32, #tpu.memory_space<vmem_shared>>
        %dma_start3A_366 = arith.constant 0 : i32
        %dma_start3A_367 = tpu.memref_slice %arg3[%mul3A_361, %dma_start3A_366] : memref<50048x16xf32, #tpu.memory_space<hbm>> -> memref<3128x16xf32, #tpu.memory_space<hbm>>
        tpu.enqueue_dma source(%dma_start3A_367 : memref<3128x16xf32, #tpu.memory_space<hbm>>) target(%dma_start3A_365 : memref<3128x16xf32, #tpu.memory_space<vmem_shared>>) target_semaphore(%run_scoped3A : memref<!tpu.dma_semaphore, #tpu.memory_space<semaphore_mem>>)
        %dma_wait3A_368 = arith.constant 0 : i32
        %dma_wait3A_369 = tpu.memref_slice %arg6[%mul3A_363, %dma_wait3A_368] : memref<50048x16xf32, #tpu.memory_space<vmem_shared>> -> memref<3128x16xf32, #tpu.memory_space<vmem_shared>>
        %dma_wait3A_370 = arith.constant 0 : i32
        %dma_wait3A_371 = tpu.memref_slice %arg3[%mul3A_361, %dma_wait3A_370] : memref<50048x16xf32, #tpu.memory_space<hbm>> -> memref<3128x16xf32, #tpu.memory_space<hbm>>
        tpu.wait_dma2 semaphore(%run_scoped3A : memref<!tpu.dma_semaphore, #tpu.memory_space<semaphore_mem>>) src(%dma_wait3A_371 : memref<3128x16xf32, #tpu.memory_space<hbm>>) dst(%dma_wait3A_369 : memref<3128x16xf32, #tpu.memory_space<vmem_shared>>)
        tpu.yield
      }) : () -> ()
    } else {
    }
    %barrier3A = arith.constant 0 : index
    tpu.barrier barrier_id(%barrier3A)
    %dma_wait3A = arith.constant 0 : i32
    %dma_wait3A_35 = arith.constant 0 : i32
    %dma_wait3A_36 = arith.constant 0 : i32
    %dma_wait3A_37 = tpu.memref_slice %arg7[%dma_wait3A_35, %dma_wait3A_36] : memref<2x10000xi32, #tpu.memory_space<vmem>> -> memref<1x10000xi32, #tpu.memory_space<vmem>>
    %dma_wait3A_38 = tpu.memref_squeeze %dma_wait3A_37 : memref<1x10000xi32, #tpu.memory_space<vmem>> -> memref<10000xi32, #tpu.memory_space<vmem>>
    %dma_wait3A_39 = tpu.memref_slice %arg4[%dma_wait3A, %add3A_4] : memref<2x1600000xi32, #tpu.memory_space<hbm>> -> memref<1x10000xi32, #tpu.memory_space<hbm>>
    %dma_wait3A_40 = tpu.memref_squeeze %dma_wait3A_39 : memref<1x10000xi32, #tpu.memory_space<hbm>> -> memref<10000xi32, #tpu.memory_space<hbm>>
    %dma_wait3A_41 = arith.constant 0 : i32
    %dma_wait3A_42 = tpu.memref_slice %arg7[%dma_wait3A_35, %dma_wait3A_41] : memref<2x10000xi32, #tpu.memory_space<vmem>> -> memref<1x10000xi32, #tpu.memory_space<vmem>>
    %dma_wait3A_43 = tpu.memref_squeeze %dma_wait3A_42 : memref<1x10000xi32, #tpu.memory_space<vmem>> -> memref<10000xi32, #tpu.memory_space<vmem>>
    %dma_wait3A_44 = tpu.memref_slice %arg4[%dma_wait3A, %add3A_4] : memref<2x1600000xi32, #tpu.memory_space<hbm>> -> memref<1x10000xi32, #tpu.memory_space<hbm>>
    %dma_wait3A_45 = tpu.memref_squeeze %dma_wait3A_44 : memref<1x10000xi32, #tpu.memory_space<hbm>> -> memref<10000xi32, #tpu.memory_space<hbm>>
    tpu.wait_dma2 semaphore(%arg12 : memref<!tpu.dma_semaphore, #tpu.memory_space<semaphore_mem>>) src(%dma_wait3A_45 : memref<10000xi32, #tpu.memory_space<hbm>>) dst(%dma_wait3A_43 : memref<10000xi32, #tpu.memory_space<vmem>>)
    %dma_wait3A_46 = arith.constant 1 : i32
    %dma_wait3A_47 = arith.constant 0 : i32
    %dma_wait3A_48 = arith.constant 0 : i32
    %dma_wait3A_49 = tpu.memref_slice %arg8[%dma_wait3A_47, %dma_wait3A_48] : memref<2x10000xi32, #tpu.memory_space<vmem>> -> memref<1x10000xi32, #tpu.memory_space<vmem>>
    %dma_wait3A_50 = tpu.memref_squeeze %dma_wait3A_49 : memref<1x10000xi32, #tpu.memory_space<vmem>> -> memref<10000xi32, #tpu.memory_space<vmem>>
    %dma_wait3A_51 = tpu.memref_slice %arg4[%dma_wait3A_46, %add3A_4] : memref<2x1600000xi32, #tpu.memory_space<hbm>> -> memref<1x10000xi32, #tpu.memory_space<hbm>>
    %dma_wait3A_52 = tpu.memref_squeeze %dma_wait3A_51 : memref<1x10000xi32, #tpu.memory_space<hbm>> -> memref<10000xi32, #tpu.memory_space<hbm>>
    %dma_wait3A_53 = arith.constant 0 : i32
    %dma_wait3A_54 = tpu.memref_slice %arg8[%dma_wait3A_47, %dma_wait3A_53] : memref<2x10000xi32, #tpu.memory_space<vmem>> -> memref<1x10000xi32, #tpu.memory_space<vmem>>
    %dma_wait3A_55 = tpu.memref_squeeze %dma_wait3A_54 : memref<1x10000xi32, #tpu.memory_space<vmem>> -> memref<10000xi32, #tpu.memory_space<vmem>>
    %dma_wait3A_56 = tpu.memref_slice %arg4[%dma_wait3A_46, %add3A_4] : memref<2x1600000xi32, #tpu.memory_space<hbm>> -> memref<1x10000xi32, #tpu.memory_space<hbm>>
    %dma_wait3A_57 = tpu.memref_squeeze %dma_wait3A_56 : memref<1x10000xi32, #tpu.memory_space<hbm>> -> memref<10000xi32, #tpu.memory_space<hbm>>
    tpu.wait_dma2 semaphore(%arg12 : memref<!tpu.dma_semaphore, #tpu.memory_space<semaphore_mem>>) src(%dma_wait3A_57 : memref<10000xi32, #tpu.memory_space<hbm>>) dst(%dma_wait3A_55 : memref<10000xi32, #tpu.memory_space<vmem>>)
    %mul3A_58 = arith.constant 50000 : i32
    %mul3A_59 = arith.muli %add3A, %mul3A_58 : i32
    %add3A_60 = arith.constant 10000 : i32
    %add3A_61 = arith.addi %mul3A_59, %add3A_60 : i32
    %dma_start3A_62 = arith.constant 0 : i32
    %dma_start3A_63 = arith.constant 1 : i32
    %dma_start3A_64 = arith.constant 0 : i32
    %dma_start3A_65 = tpu.memref_slice %arg7[%dma_start3A_63, %dma_start3A_64] : memref<2x10000xi32, #tpu.memory_space<vmem>> -> memref<1x10000xi32, #tpu.memory_space<vmem>>
    %dma_start3A_66 = tpu.memref_squeeze %dma_start3A_65 : memref<1x10000xi32, #tpu.memory_space<vmem>> -> memref<10000xi32, #tpu.memory_space<vmem>>
    %dma_start3A_67 = tpu.memref_slice %arg4[%dma_start3A_62, %add3A_61] : memref<2x1600000xi32, #tpu.memory_space<hbm>> -> memref<1x10000xi32, #tpu.memory_space<hbm>>
    %dma_start3A_68 = tpu.memref_squeeze %dma_start3A_67 : memref<1x10000xi32, #tpu.memory_space<hbm>> -> memref<10000xi32, #tpu.memory_space<hbm>>
    %dma_start3A_69 = arith.constant 0 : i32
    %dma_start3A_70 = tpu.memref_slice %arg7[%dma_start3A_63, %dma_start3A_69] : memref<2x10000xi32, #tpu.memory_space<vmem>> -> memref<1x10000xi32, #tpu.memory_space<vmem>>
    %dma_start3A_71 = tpu.memref_squeeze %dma_start3A_70 : memref<1x10000xi32, #tpu.memory_space<vmem>> -> memref<10000xi32, #tpu.memory_space<vmem>>
    %dma_start3A_72 = tpu.memref_slice %arg4[%dma_start3A_62, %add3A_61] : memref<2x1600000xi32, #tpu.memory_space<hbm>> -> memref<1x10000xi32, #tpu.memory_space<hbm>>
    %dma_start3A_73 = tpu.memref_squeeze %dma_start3A_72 : memref<1x10000xi32, #tpu.memory_space<hbm>> -> memref<10000xi32, #tpu.memory_space<hbm>>
    tpu.enqueue_dma source(%dma_start3A_73 : memref<10000xi32, #tpu.memory_space<hbm>>) target(%dma_start3A_71 : memref<10000xi32, #tpu.memory_space<vmem>>) target_semaphore(%arg12 : memref<!tpu.dma_semaphore, #tpu.memory_space<semaphore_mem>>)
    %dma_start3A_74 = arith.constant 1 : i32
    %dma_start3A_75 = arith.constant 1 : i32
    %dma_start3A_76 = arith.constant 0 : i32
    %dma_start3A_77 = tpu.memref_slice %arg8[%dma_start3A_75, %dma_start3A_76] : memref<2x10000xi32, #tpu.memory_space<vmem>> -> memref<1x10000xi32, #tpu.memory_space<vmem>>
    %dma_start3A_78 = tpu.memref_squeeze %dma_start3A_77 : memref<1x10000xi32, #tpu.memory_space<vmem>> -> memref<10000xi32, #tpu.memory_space<vmem>>
    %dma_start3A_79 = tpu.memref_slice %arg4[%dma_start3A_74, %add3A_61] : memref<2x1600000xi32, #tpu.memory_space<hbm>> -> memref<1x10000xi32, #tpu.memory_space<hbm>>
    %dma_start3A_80 = tpu.memref_squeeze %dma_start3A_79 : memref<1x10000xi32, #tpu.memory_space<hbm>> -> memref<10000xi32, #tpu.memory_space<hbm>>
    %dma_start3A_81 = arith.constant 0 : i32
    %dma_start3A_82 = tpu.memref_slice %arg8[%dma_start3A_75, %dma_start3A_81] : memref<2x10000xi32, #tpu.memory_space<vmem>> -> memref<1x10000xi32, #tpu.memory_space<vmem>>
    %dma_start3A_83 = tpu.memref_squeeze %dma_start3A_82 : memref<1x10000xi32, #tpu.memory_space<vmem>> -> memref<10000xi32, #tpu.memory_space<vmem>>
    %dma_start3A_84 = tpu.memref_slice %arg4[%dma_start3A_74, %add3A_61] : memref<2x1600000xi32, #tpu.memory_space<hbm>> -> memref<1x10000xi32, #tpu.memory_space<hbm>>
    %dma_start3A_85 = tpu.memref_squeeze %dma_start3A_84 : memref<1x10000xi32, #tpu.memory_space<hbm>> -> memref<10000xi32, #tpu.memory_space<hbm>>
    tpu.enqueue_dma source(%dma_start3A_85 : memref<10000xi32, #tpu.memory_space<hbm>>) target(%dma_start3A_83 : memref<10000xi32, #tpu.memory_space<vmem>>) target_semaphore(%arg12 : memref<!tpu.dma_semaphore, #tpu.memory_space<semaphore_mem>>)
    %scan3A = arith.constant 0 : i32
    %scan3A_86 = arith.constant 0 : i32
    %scan3A_87 = arith.constant 25 : i32
    %scan3A_88 = arith.addi %scan3A_86, %scan3A_87 : i32
    %scan3A_89 = arith.constant 1 : i32
    scf.for %scan3A_360 = %scan3A_86 to %scan3A_88 step %scan3A_89  : i32 {
      %ge3A = arith.constant 6 : i32
      %ge3A_361 = arith.cmpi sge, %scan3A_360, %ge3A : i32
      %convert_element_type3A_362 = arith.extui %ge3A_361 : i1 to i32
      %cond3A_363 = arith.constant 0 : i32
      %cond3A_364 = arith.cmpi ne, %convert_element_type3A_362, %cond3A_363 : i32
      scf.if %cond3A_364 {
        %dma_wait3A_385 = arith.constant 0 : i32
        %dma_wait3A_386 = arith.constant 0 : i32
        %dma_wait3A_387 = arith.constant 0 : i32
        %dma_wait3A_388 = tpu.memref_slice %arg9[%dma_wait3A_385, %dma_wait3A_386, %dma_wait3A_387] : memref<6x400x16xf32, #tpu.memory_space<vmem>> -> memref<1x400x16xf32, #tpu.memory_space<vmem>>
        %dma_wait3A_389 = tpu.memref_squeeze %dma_wait3A_388 : memref<1x400x16xf32, #tpu.memory_space<vmem>> -> memref<400x16xf32, #tpu.memory_space<vmem>>
        %dma_wait3A_390 = arith.constant 0 : i32
        %dma_wait3A_391 = arith.constant 0 : i32
        %dma_wait3A_392 = tpu.memref_slice %arg2[%dma_wait3A_390, %dma_wait3A_391] : memref<50048x16xf32, #tpu.memory_space<hbm>> -> memref<400x16xf32, #tpu.memory_space<hbm>>
        %dma_wait3A_393 = arith.constant 0 : i32
        %dma_wait3A_394 = arith.constant 0 : i32
        %dma_wait3A_395 = tpu.memref_slice %arg9[%dma_wait3A_385, %dma_wait3A_393, %dma_wait3A_394] : memref<6x400x16xf32, #tpu.memory_space<vmem>> -> memref<1x400x16xf32, #tpu.memory_space<vmem>>
        %dma_wait3A_396 = tpu.memref_squeeze %dma_wait3A_395 : memref<1x400x16xf32, #tpu.memory_space<vmem>> -> memref<400x16xf32, #tpu.memory_space<vmem>>
        %dma_wait3A_397 = arith.constant 0 : i32
        %dma_wait3A_398 = arith.constant 0 : i32
        %dma_wait3A_399 = tpu.memref_slice %arg2[%dma_wait3A_397, %dma_wait3A_398] : memref<50048x16xf32, #tpu.memory_space<hbm>> -> memref<400x16xf32, #tpu.memory_space<hbm>>
        tpu.wait_dma2 semaphore(%arg11 : memref<!tpu.dma_semaphore, #tpu.memory_space<semaphore_mem>>) src(%dma_wait3A_399 : memref<400x16xf32, #tpu.memory_space<hbm>>) dst(%dma_wait3A_396 : memref<400x16xf32, #tpu.memory_space<vmem>>)
      } else {
      }
      %mul3A_365 = arith.constant 400 : i32
      %mul3A_366 = arith.muli %scan3A_360, %mul3A_365 : i32
      %rem3A = arith.constant 6 : i32
      %rem3A_367 = arith.remsi %scan3A_360, %rem3A : i32
      %dma_start3A_368 = arith.constant 0 : i32
      %dma_start3A_369 = arith.constant 0 : i32
      %dma_start3A_370 = arith.constant 0 : i32
      %dma_start3A_371 = tpu.memref_slice %arg9[%rem3A_367, %dma_start3A_369, %dma_start3A_370] : memref<6x400x16xf32, #tpu.memory_space<vmem>> -> memref<1x400x16xf32, #tpu.memory_space<vmem>>
      %dma_start3A_372 = tpu.memref_squeeze %dma_start3A_371 : memref<1x400x16xf32, #tpu.memory_space<vmem>> -> memref<400x16xf32, #tpu.memory_space<vmem>>
      %dma_start3A_373 = arith.constant 0 : i32
      %dma_start3A_374 = tpu.memref_slice %arg7[%dma_start3A_368, %dma_start3A_373] : memref<2x10000xi32, #tpu.memory_space<vmem>> -> memref<1x10000xi32, #tpu.memory_space<vmem>>
      %dma_start3A_375 = tpu.memref_squeeze %dma_start3A_374 : memref<1x10000xi32, #tpu.memory_space<vmem>> -> memref<10000xi32, #tpu.memory_space<vmem>>
      %dma_start3A_376 = tpu.memref_slice %dma_start3A_375[%mul3A_366] : memref<10000xi32, #tpu.memory_space<vmem>> -> memref<400xi32, #tpu.memory_space<vmem>>
      %dma_start3A_377 = arith.constant 0 : i32
      %dma_start3A_378 = arith.constant 0 : i32
      %dma_start3A_379 = tpu.memref_slice %arg2[%dma_start3A_377, %dma_start3A_378] : memref<50048x16xf32, #tpu.memory_space<hbm>> -> memref<50048x16xf32, #tpu.memory_space<hbm>>
      tpu.enqueue_indirect_dma source(%dma_start3A_379 : memref<50048x16xf32, #tpu.memory_space<hbm>>) target(%dma_start3A_372 : memref<400x16xf32, #tpu.memory_space<vmem>>) offsets(%dma_start3A_376 : memref<400xi32, #tpu.memory_space<vmem>>) semaphore(%arg10 : memref<!tpu.dma_semaphore, #tpu.memory_space<semaphore_mem>>)
      %ge3A_380 = arith.constant 3 : i32
      %ge3A_381 = arith.cmpi sge, %scan3A_360, %ge3A_380 : i32
      %convert_element_type3A_382 = arith.extui %ge3A_381 : i1 to i32
      %cond3A_383 = arith.constant 0 : i32
      %cond3A_384 = arith.cmpi ne, %convert_element_type3A_382, %cond3A_383 : i32
      scf.if %cond3A_384 {
        %sub3A = arith.constant 3 : i32
        %sub3A_385 = arith.subi %scan3A_360, %sub3A : i32
        %dma_wait3A_386 = arith.constant 0 : i32
        %dma_wait3A_387 = arith.constant 0 : i32
        %dma_wait3A_388 = arith.constant 0 : i32
        %dma_wait3A_389 = tpu.memref_slice %arg9[%dma_wait3A_386, %dma_wait3A_387, %dma_wait3A_388] : memref<6x400x16xf32, #tpu.memory_space<vmem>> -> memref<1x400x16xf32, #tpu.memory_space<vmem>>
        %dma_wait3A_390 = tpu.memref_squeeze %dma_wait3A_389 : memref<1x400x16xf32, #tpu.memory_space<vmem>> -> memref<400x16xf32, #tpu.memory_space<vmem>>
        %dma_wait3A_391 = arith.constant 0 : i32
        %dma_wait3A_392 = arith.constant 0 : i32
        %dma_wait3A_393 = tpu.memref_slice %arg2[%dma_wait3A_391, %dma_wait3A_392] : memref<50048x16xf32, #tpu.memory_space<hbm>> -> memref<400x16xf32, #tpu.memory_space<hbm>>
        %dma_wait3A_394 = arith.constant 0 : i32
        %dma_wait3A_395 = arith.constant 0 : i32
        %dma_wait3A_396 = tpu.memref_slice %arg9[%dma_wait3A_386, %dma_wait3A_394, %dma_wait3A_395] : memref<6x400x16xf32, #tpu.memory_space<vmem>> -> memref<1x400x16xf32, #tpu.memory_space<vmem>>
        %dma_wait3A_397 = tpu.memref_squeeze %dma_wait3A_396 : memref<1x400x16xf32, #tpu.memory_space<vmem>> -> memref<400x16xf32, #tpu.memory_space<vmem>>
        %dma_wait3A_398 = arith.constant 0 : i32
        %dma_wait3A_399 = arith.constant 0 : i32
        %dma_wait3A_400 = tpu.memref_slice %arg2[%dma_wait3A_398, %dma_wait3A_399] : memref<50048x16xf32, #tpu.memory_space<hbm>> -> memref<400x16xf32, #tpu.memory_space<hbm>>
        tpu.wait_dma2 semaphore(%arg10 : memref<!tpu.dma_semaphore, #tpu.memory_space<semaphore_mem>>) src(%dma_wait3A_400 : memref<400x16xf32, #tpu.memory_space<hbm>>) dst(%dma_wait3A_397 : memref<400x16xf32, #tpu.memory_space<vmem>>)
        %rem3A_401 = arith.constant 6 : i32
        %rem3A_402 = arith.remsi %sub3A_385, %rem3A_401 : i32
        %mul3A_403 = arith.constant 400 : i32
        %mul3A_404 = arith.muli %sub3A_385, %mul3A_403 : i32
        %dma_start3A_405 = arith.constant 0 : i32
        %dma_start3A_406 = arith.constant 0 : i32
        %dma_start3A_407 = arith.constant 0 : i32
        %dma_start3A_408 = tpu.memref_slice %arg9[%rem3A_402, %dma_start3A_406, %dma_start3A_407] : memref<6x400x16xf32, #tpu.memory_space<vmem>> -> memref<1x400x16xf32, #tpu.memory_space<vmem>>
        %dma_start3A_409 = tpu.memref_squeeze %dma_start3A_408 : memref<1x400x16xf32, #tpu.memory_space<vmem>> -> memref<400x16xf32, #tpu.memory_space<vmem>>
        %dma_start3A_410 = arith.constant 0 : i32
        %dma_start3A_411 = tpu.memref_slice %arg8[%dma_start3A_405, %dma_start3A_410] : memref<2x10000xi32, #tpu.memory_space<vmem>> -> memref<1x10000xi32, #tpu.memory_space<vmem>>
        %dma_start3A_412 = tpu.memref_squeeze %dma_start3A_411 : memref<1x10000xi32, #tpu.memory_space<vmem>> -> memref<10000xi32, #tpu.memory_space<vmem>>
        %dma_start3A_413 = tpu.memref_slice %dma_start3A_412[%mul3A_404] : memref<10000xi32, #tpu.memory_space<vmem>> -> memref<400xi32, #tpu.memory_space<vmem>>
        %dma_start3A_414 = arith.constant 0 : i32
        %dma_start3A_415 = arith.constant 0 : i32
        %dma_start3A_416 = tpu.memref_slice %arg6[%dma_start3A_414, %dma_start3A_415] : memref<50048x16xf32, #tpu.memory_space<vmem_shared>> -> memref<50048x16xf32, #tpu.memory_space<vmem_shared>>
        tpu.enqueue_indirect_dma source(%dma_start3A_409 : memref<400x16xf32, #tpu.memory_space<vmem>>) target(%dma_start3A_416 : memref<50048x16xf32, #tpu.memory_space<vmem_shared>>) offsets(%dma_start3A_413 : memref<400xi32, #tpu.memory_space<vmem>>) semaphore(%arg11 : memref<!tpu.dma_semaphore, #tpu.memory_space<semaphore_mem>>) {add = true}
      } else {
      }
    }
    %scan3A_90 = arith.constant 25 : i32
    %scan3A_91 = arith.constant 0 : i32
    %scan3A_92 = arith.constant 22 : i32
    %scan3A_93 = arith.constant 3 : i32
    %scan3A_94 = arith.addi %scan3A_92, %scan3A_93 : i32
    %scan3A_95 = arith.constant 1 : i32
    scf.for %scan3A_360 = %scan3A_92 to %scan3A_94 step %scan3A_95  : i32 {
      %dma_wait3A_361 = arith.constant 0 : i32
      %dma_wait3A_362 = arith.constant 0 : i32
      %dma_wait3A_363 = arith.constant 0 : i32
      %dma_wait3A_364 = tpu.memref_slice %arg9[%dma_wait3A_361, %dma_wait3A_362, %dma_wait3A_363] : memref<6x400x16xf32, #tpu.memory_space<vmem>> -> memref<1x400x16xf32, #tpu.memory_space<vmem>>
      %dma_wait3A_365 = tpu.memref_squeeze %dma_wait3A_364 : memref<1x400x16xf32, #tpu.memory_space<vmem>> -> memref<400x16xf32, #tpu.memory_space<vmem>>
      %dma_wait3A_366 = arith.constant 0 : i32
      %dma_wait3A_367 = arith.constant 0 : i32
      %dma_wait3A_368 = tpu.memref_slice %arg2[%dma_wait3A_366, %dma_wait3A_367] : memref<50048x16xf32, #tpu.memory_space<hbm>> -> memref<400x16xf32, #tpu.memory_space<hbm>>
      %dma_wait3A_369 = arith.constant 0 : i32
      %dma_wait3A_370 = arith.constant 0 : i32
      %dma_wait3A_371 = tpu.memref_slice %arg9[%dma_wait3A_361, %dma_wait3A_369, %dma_wait3A_370] : memref<6x400x16xf32, #tpu.memory_space<vmem>> -> memref<1x400x16xf32, #tpu.memory_space<vmem>>
      %dma_wait3A_372 = tpu.memref_squeeze %dma_wait3A_371 : memref<1x400x16xf32, #tpu.memory_space<vmem>> -> memref<400x16xf32, #tpu.memory_space<vmem>>
      %dma_wait3A_373 = arith.constant 0 : i32
      %dma_wait3A_374 = arith.constant 0 : i32
      %dma_wait3A_375 = tpu.memref_slice %arg2[%dma_wait3A_373, %dma_wait3A_374] : memref<50048x16xf32, #tpu.memory_space<hbm>> -> memref<400x16xf32, #tpu.memory_space<hbm>>
      tpu.wait_dma2 semaphore(%arg10 : memref<!tpu.dma_semaphore, #tpu.memory_space<semaphore_mem>>) src(%dma_wait3A_375 : memref<400x16xf32, #tpu.memory_space<hbm>>) dst(%dma_wait3A_372 : memref<400x16xf32, #tpu.memory_space<vmem>>)
      %rem3A = arith.constant 6 : i32
      %rem3A_376 = arith.remsi %scan3A_360, %rem3A : i32
      %mul3A_377 = arith.constant 400 : i32
      %mul3A_378 = arith.muli %scan3A_360, %mul3A_377 : i32
      %dma_start3A_379 = arith.constant 0 : i32
      %dma_start3A_380 = arith.constant 0 : i32
      %dma_start3A_381 = arith.constant 0 : i32
      %dma_start3A_382 = tpu.memref_slice %arg9[%rem3A_376, %dma_start3A_380, %dma_start3A_381] : memref<6x400x16xf32, #tpu.memory_space<vmem>> -> memref<1x400x16xf32, #tpu.memory_space<vmem>>
      %dma_start3A_383 = tpu.memref_squeeze %dma_start3A_382 : memref<1x400x16xf32, #tpu.memory_space<vmem>> -> memref<400x16xf32, #tpu.memory_space<vmem>>
      %dma_start3A_384 = arith.constant 0 : i32
      %dma_start3A_385 = tpu.memref_slice %arg8[%dma_start3A_379, %dma_start3A_384] : memref<2x10000xi32, #tpu.memory_space<vmem>> -> memref<1x10000xi32, #tpu.memory_space<vmem>>
      %dma_start3A_386 = tpu.memref_squeeze %dma_start3A_385 : memref<1x10000xi32, #tpu.memory_space<vmem>> -> memref<10000xi32, #tpu.memory_space<vmem>>
      %dma_start3A_387 = tpu.memref_slice %dma_start3A_386[%mul3A_378] : memref<10000xi32, #tpu.memory_space<vmem>> -> memref<400xi32, #tpu.memory_space<vmem>>
      %dma_start3A_388 = arith.constant 0 : i32
      %dma_start3A_389 = arith.constant 0 : i32
      %dma_start3A_390 = tpu.memref_slice %arg6[%dma_start3A_388, %dma_start3A_389] : memref<50048x16xf32, #tpu.memory_space<vmem_shared>> -> memref<50048x16xf32, #tpu.memory_space<vmem_shared>>
      tpu.enqueue_indirect_dma source(%dma_start3A_383 : memref<400x16xf32, #tpu.memory_space<vmem>>) target(%dma_start3A_390 : memref<50048x16xf32, #tpu.memory_space<vmem_shared>>) offsets(%dma_start3A_387 : memref<400xi32, #tpu.memory_space<vmem>>) semaphore(%arg11 : memref<!tpu.dma_semaphore, #tpu.memory_space<semaphore_mem>>) {add = true}
    }
    %scan3A_96 = arith.constant 3 : i32
    %scan3A_97 = arith.constant 0 : i32
    %scan3A_98 = arith.constant 0 : i32
    %scan3A_99 = arith.constant 6 : i32
    %scan3A_100 = arith.addi %scan3A_98, %scan3A_99 : i32
    %scan3A_101 = arith.constant 1 : i32
    scf.for %scan3A_360 = %scan3A_98 to %scan3A_100 step %scan3A_101  : i32 {
      %dma_wait3A_361 = arith.constant 0 : i32
      %dma_wait3A_362 = arith.constant 0 : i32
      %dma_wait3A_363 = arith.constant 0 : i32
      %dma_wait3A_364 = tpu.memref_slice %arg9[%dma_wait3A_361, %dma_wait3A_362, %dma_wait3A_363] : memref<6x400x16xf32, #tpu.memory_space<vmem>> -> memref<1x400x16xf32, #tpu.memory_space<vmem>>
      %dma_wait3A_365 = tpu.memref_squeeze %dma_wait3A_364 : memref<1x400x16xf32, #tpu.memory_space<vmem>> -> memref<400x16xf32, #tpu.memory_space<vmem>>
      %dma_wait3A_366 = arith.constant 0 : i32
      %dma_wait3A_367 = arith.constant 0 : i32
      %dma_wait3A_368 = tpu.memref_slice %arg2[%dma_wait3A_366, %dma_wait3A_367] : memref<50048x16xf32, #tpu.memory_space<hbm>> -> memref<400x16xf32, #tpu.memory_space<hbm>>
      %dma_wait3A_369 = arith.constant 0 : i32
      %dma_wait3A_370 = arith.constant 0 : i32
      %dma_wait3A_371 = tpu.memref_slice %arg9[%dma_wait3A_361, %dma_wait3A_369, %dma_wait3A_370] : memref<6x400x16xf32, #tpu.memory_space<vmem>> -> memref<1x400x16xf32, #tpu.memory_space<vmem>>
      %dma_wait3A_372 = tpu.memref_squeeze %dma_wait3A_371 : memref<1x400x16xf32, #tpu.memory_space<vmem>> -> memref<400x16xf32, #tpu.memory_space<vmem>>
      %dma_wait3A_373 = arith.constant 0 : i32
      %dma_wait3A_374 = arith.constant 0 : i32
      %dma_wait3A_375 = tpu.memref_slice %arg2[%dma_wait3A_373, %dma_wait3A_374] : memref<50048x16xf32, #tpu.memory_space<hbm>> -> memref<400x16xf32, #tpu.memory_space<hbm>>
      tpu.wait_dma2 semaphore(%arg11 : memref<!tpu.dma_semaphore, #tpu.memory_space<semaphore_mem>>) src(%dma_wait3A_375 : memref<400x16xf32, #tpu.memory_space<hbm>>) dst(%dma_wait3A_372 : memref<400x16xf32, #tpu.memory_space<vmem>>)
    }
    %scan3A_102 = arith.constant 6 : i32
    %dma_wait3A_103 = arith.constant 0 : i32
    %dma_wait3A_104 = arith.constant 1 : i32
    %dma_wait3A_105 = arith.constant 0 : i32
    %dma_wait3A_106 = tpu.memref_slice %arg7[%dma_wait3A_104, %dma_wait3A_105] : memref<2x10000xi32, #tpu.memory_space<vmem>> -> memref<1x10000xi32, #tpu.memory_space<vmem>>
    %dma_wait3A_107 = tpu.memref_squeeze %dma_wait3A_106 : memref<1x10000xi32, #tpu.memory_space<vmem>> -> memref<10000xi32, #tpu.memory_space<vmem>>
    %dma_wait3A_108 = tpu.memref_slice %arg4[%dma_wait3A_103, %add3A_61] : memref<2x1600000xi32, #tpu.memory_space<hbm>> -> memref<1x10000xi32, #tpu.memory_space<hbm>>
    %dma_wait3A_109 = tpu.memref_squeeze %dma_wait3A_108 : memref<1x10000xi32, #tpu.memory_space<hbm>> -> memref<10000xi32, #tpu.memory_space<hbm>>
    %dma_wait3A_110 = arith.constant 0 : i32
    %dma_wait3A_111 = tpu.memref_slice %arg7[%dma_wait3A_104, %dma_wait3A_110] : memref<2x10000xi32, #tpu.memory_space<vmem>> -> memref<1x10000xi32, #tpu.memory_space<vmem>>
    %dma_wait3A_112 = tpu.memref_squeeze %dma_wait3A_111 : memref<1x10000xi32, #tpu.memory_space<vmem>> -> memref<10000xi32, #tpu.memory_space<vmem>>
    %dma_wait3A_113 = tpu.memref_slice %arg4[%dma_wait3A_103, %add3A_61] : memref<2x1600000xi32, #tpu.memory_space<hbm>> -> memref<1x10000xi32, #tpu.memory_space<hbm>>
    %dma_wait3A_114 = tpu.memref_squeeze %dma_wait3A_113 : memref<1x10000xi32, #tpu.memory_space<hbm>> -> memref<10000xi32, #tpu.memory_space<hbm>>
    tpu.wait_dma2 semaphore(%arg12 : memref<!tpu.dma_semaphore, #tpu.memory_space<semaphore_mem>>) src(%dma_wait3A_114 : memref<10000xi32, #tpu.memory_space<hbm>>) dst(%dma_wait3A_112 : memref<10000xi32, #tpu.memory_space<vmem>>)
    %dma_wait3A_115 = arith.constant 1 : i32
    %dma_wait3A_116 = arith.constant 1 : i32
    %dma_wait3A_117 = arith.constant 0 : i32
    %dma_wait3A_118 = tpu.memref_slice %arg8[%dma_wait3A_116, %dma_wait3A_117] : memref<2x10000xi32, #tpu.memory_space<vmem>> -> memref<1x10000xi32, #tpu.memory_space<vmem>>
    %dma_wait3A_119 = tpu.memref_squeeze %dma_wait3A_118 : memref<1x10000xi32, #tpu.memory_space<vmem>> -> memref<10000xi32, #tpu.memory_space<vmem>>
    %dma_wait3A_120 = tpu.memref_slice %arg4[%dma_wait3A_115, %add3A_61] : memref<2x1600000xi32, #tpu.memory_space<hbm>> -> memref<1x10000xi32, #tpu.memory_space<hbm>>
    %dma_wait3A_121 = tpu.memref_squeeze %dma_wait3A_120 : memref<1x10000xi32, #tpu.memory_space<hbm>> -> memref<10000xi32, #tpu.memory_space<hbm>>
    %dma_wait3A_122 = arith.constant 0 : i32
    %dma_wait3A_123 = tpu.memref_slice %arg8[%dma_wait3A_116, %dma_wait3A_122] : memref<2x10000xi32, #tpu.memory_space<vmem>> -> memref<1x10000xi32, #tpu.memory_space<vmem>>
    %dma_wait3A_124 = tpu.memref_squeeze %dma_wait3A_123 : memref<1x10000xi32, #tpu.memory_space<vmem>> -> memref<10000xi32, #tpu.memory_space<vmem>>
    %dma_wait3A_125 = tpu.memref_slice %arg4[%dma_wait3A_115, %add3A_61] : memref<2x1600000xi32, #tpu.memory_space<hbm>> -> memref<1x10000xi32, #tpu.memory_space<hbm>>
    %dma_wait3A_126 = tpu.memref_squeeze %dma_wait3A_125 : memref<1x10000xi32, #tpu.memory_space<hbm>> -> memref<10000xi32, #tpu.memory_space<hbm>>
    tpu.wait_dma2 semaphore(%arg12 : memref<!tpu.dma_semaphore, #tpu.memory_space<semaphore_mem>>) src(%dma_wait3A_126 : memref<10000xi32, #tpu.memory_space<hbm>>) dst(%dma_wait3A_124 : memref<10000xi32, #tpu.memory_space<vmem>>)
    %mul3A_127 = arith.constant 50000 : i32
    %mul3A_128 = arith.muli %add3A, %mul3A_127 : i32
    %add3A_129 = arith.constant 20000 : i32
    %add3A_130 = arith.addi %mul3A_128, %add3A_129 : i32
    %dma_start3A_131 = arith.constant 0 : i32
    %dma_start3A_132 = arith.constant 0 : i32
    %dma_start3A_133 = arith.constant 0 : i32
    %dma_start3A_134 = tpu.memref_slice %arg7[%dma_start3A_132, %dma_start3A_133] : memref<2x10000xi32, #tpu.memory_space<vmem>> -> memref<1x10000xi32, #tpu.memory_space<vmem>>
    %dma_start3A_135 = tpu.memref_squeeze %dma_start3A_134 : memref<1x10000xi32, #tpu.memory_space<vmem>> -> memref<10000xi32, #tpu.memory_space<vmem>>
    %dma_start3A_136 = tpu.memref_slice %arg4[%dma_start3A_131, %add3A_130] : memref<2x1600000xi32, #tpu.memory_space<hbm>> -> memref<1x10000xi32, #tpu.memory_space<hbm>>
    %dma_start3A_137 = tpu.memref_squeeze %dma_start3A_136 : memref<1x10000xi32, #tpu.memory_space<hbm>> -> memref<10000xi32, #tpu.memory_space<hbm>>
    %dma_start3A_138 = arith.constant 0 : i32
    %dma_start3A_139 = tpu.memref_slice %arg7[%dma_start3A_132, %dma_start3A_138] : memref<2x10000xi32, #tpu.memory_space<vmem>> -> memref<1x10000xi32, #tpu.memory_space<vmem>>
    %dma_start3A_140 = tpu.memref_squeeze %dma_start3A_139 : memref<1x10000xi32, #tpu.memory_space<vmem>> -> memref<10000xi32, #tpu.memory_space<vmem>>
    %dma_start3A_141 = tpu.memref_slice %arg4[%dma_start3A_131, %add3A_130] : memref<2x1600000xi32, #tpu.memory_space<hbm>> -> memref<1x10000xi32, #tpu.memory_space<hbm>>
    %dma_start3A_142 = tpu.memref_squeeze %dma_start3A_141 : memref<1x10000xi32, #tpu.memory_space<hbm>> -> memref<10000xi32, #tpu.memory_space<hbm>>
    tpu.enqueue_dma source(%dma_start3A_142 : memref<10000xi32, #tpu.memory_space<hbm>>) target(%dma_start3A_140 : memref<10000xi32, #tpu.memory_space<vmem>>) target_semaphore(%arg12 : memref<!tpu.dma_semaphore, #tpu.memory_space<semaphore_mem>>)
    %dma_start3A_143 = arith.constant 1 : i32
    %dma_start3A_144 = arith.constant 0 : i32
    %dma_start3A_145 = arith.constant 0 : i32
    %dma_start3A_146 = tpu.memref_slice %arg8[%dma_start3A_144, %dma_start3A_145] : memref<2x10000xi32, #tpu.memory_space<vmem>> -> memref<1x10000xi32, #tpu.memory_space<vmem>>
    %dma_start3A_147 = tpu.memref_squeeze %dma_start3A_146 : memref<1x10000xi32, #tpu.memory_space<vmem>> -> memref<10000xi32, #tpu.memory_space<vmem>>
    %dma_start3A_148 = tpu.memref_slice %arg4[%dma_start3A_143, %add3A_130] : memref<2x1600000xi32, #tpu.memory_space<hbm>> -> memref<1x10000xi32, #tpu.memory_space<hbm>>
    %dma_start3A_149 = tpu.memref_squeeze %dma_start3A_148 : memref<1x10000xi32, #tpu.memory_space<hbm>> -> memref<10000xi32, #tpu.memory_space<hbm>>
    %dma_start3A_150 = arith.constant 0 : i32
    %dma_start3A_151 = tpu.memref_slice %arg8[%dma_start3A_144, %dma_start3A_150] : memref<2x10000xi32, #tpu.memory_space<vmem>> -> memref<1x10000xi32, #tpu.memory_space<vmem>>
    %dma_start3A_152 = tpu.memref_squeeze %dma_start3A_151 : memref<1x10000xi32, #tpu.memory_space<vmem>> -> memref<10000xi32, #tpu.memory_space<vmem>>
    %dma_start3A_153 = tpu.memref_slice %arg4[%dma_start3A_143, %add3A_130] : memref<2x1600000xi32, #tpu.memory_space<hbm>> -> memref<1x10000xi32, #tpu.memory_space<hbm>>
    %dma_start3A_154 = tpu.memref_squeeze %dma_start3A_153 : memref<1x10000xi32, #tpu.memory_space<hbm>> -> memref<10000xi32, #tpu.memory_space<hbm>>
    tpu.enqueue_dma source(%dma_start3A_154 : memref<10000xi32, #tpu.memory_space<hbm>>) target(%dma_start3A_152 : memref<10000xi32, #tpu.memory_space<vmem>>) target_semaphore(%arg12 : memref<!tpu.dma_semaphore, #tpu.memory_space<semaphore_mem>>)
    %scan3A_155 = arith.constant 0 : i32
    %scan3A_156 = arith.constant 0 : i32
    %scan3A_157 = arith.constant 25 : i32
    %scan3A_158 = arith.addi %scan3A_156, %scan3A_157 : i32
    %scan3A_159 = arith.constant 1 : i32
    scf.for %scan3A_360 = %scan3A_156 to %scan3A_158 step %scan3A_159  : i32 {
      %ge3A = arith.constant 6 : i32
      %ge3A_361 = arith.cmpi sge, %scan3A_360, %ge3A : i32
      %convert_element_type3A_362 = arith.extui %ge3A_361 : i1 to i32
      %cond3A_363 = arith.constant 0 : i32
      %cond3A_364 = arith.cmpi ne, %convert_element_type3A_362, %cond3A_363 : i32
      scf.if %cond3A_364 {
        %dma_wait3A_385 = arith.constant 0 : i32
        %dma_wait3A_386 = arith.constant 0 : i32
        %dma_wait3A_387 = arith.constant 0 : i32
        %dma_wait3A_388 = tpu.memref_slice %arg9[%dma_wait3A_385, %dma_wait3A_386, %dma_wait3A_387] : memref<6x400x16xf32, #tpu.memory_space<vmem>> -> memref<1x400x16xf32, #tpu.memory_space<vmem>>
        %dma_wait3A_389 = tpu.memref_squeeze %dma_wait3A_388 : memref<1x400x16xf32, #tpu.memory_space<vmem>> -> memref<400x16xf32, #tpu.memory_space<vmem>>
        %dma_wait3A_390 = arith.constant 0 : i32
        %dma_wait3A_391 = arith.constant 0 : i32
        %dma_wait3A_392 = tpu.memref_slice %arg2[%dma_wait3A_390, %dma_wait3A_391] : memref<50048x16xf32, #tpu.memory_space<hbm>> -> memref<400x16xf32, #tpu.memory_space<hbm>>
        %dma_wait3A_393 = arith.constant 0 : i32
        %dma_wait3A_394 = arith.constant 0 : i32
        %dma_wait3A_395 = tpu.memref_slice %arg9[%dma_wait3A_385, %dma_wait3A_393, %dma_wait3A_394] : memref<6x400x16xf32, #tpu.memory_space<vmem>> -> memref<1x400x16xf32, #tpu.memory_space<vmem>>
        %dma_wait3A_396 = tpu.memref_squeeze %dma_wait3A_395 : memref<1x400x16xf32, #tpu.memory_space<vmem>> -> memref<400x16xf32, #tpu.memory_space<vmem>>
        %dma_wait3A_397 = arith.constant 0 : i32
        %dma_wait3A_398 = arith.constant 0 : i32
        %dma_wait3A_399 = tpu.memref_slice %arg2[%dma_wait3A_397, %dma_wait3A_398] : memref<50048x16xf32, #tpu.memory_space<hbm>> -> memref<400x16xf32, #tpu.memory_space<hbm>>
        tpu.wait_dma2 semaphore(%arg11 : memref<!tpu.dma_semaphore, #tpu.memory_space<semaphore_mem>>) src(%dma_wait3A_399 : memref<400x16xf32, #tpu.memory_space<hbm>>) dst(%dma_wait3A_396 : memref<400x16xf32, #tpu.memory_space<vmem>>)
      } else {
      }
      %mul3A_365 = arith.constant 400 : i32
      %mul3A_366 = arith.muli %scan3A_360, %mul3A_365 : i32
      %rem3A = arith.constant 6 : i32
      %rem3A_367 = arith.remsi %scan3A_360, %rem3A : i32
      %dma_start3A_368 = arith.constant 1 : i32
      %dma_start3A_369 = arith.constant 0 : i32
      %dma_start3A_370 = arith.constant 0 : i32
      %dma_start3A_371 = tpu.memref_slice %arg9[%rem3A_367, %dma_start3A_369, %dma_start3A_370] : memref<6x400x16xf32, #tpu.memory_space<vmem>> -> memref<1x400x16xf32, #tpu.memory_space<vmem>>
      %dma_start3A_372 = tpu.memref_squeeze %dma_start3A_371 : memref<1x400x16xf32, #tpu.memory_space<vmem>> -> memref<400x16xf32, #tpu.memory_space<vmem>>
      %dma_start3A_373 = arith.constant 0 : i32
      %dma_start3A_374 = tpu.memref_slice %arg7[%dma_start3A_368, %dma_start3A_373] : memref<2x10000xi32, #tpu.memory_space<vmem>> -> memref<1x10000xi32, #tpu.memory_space<vmem>>
      %dma_start3A_375 = tpu.memref_squeeze %dma_start3A_374 : memref<1x10000xi32, #tpu.memory_space<vmem>> -> memref<10000xi32, #tpu.memory_space<vmem>>
      %dma_start3A_376 = tpu.memref_slice %dma_start3A_375[%mul3A_366] : memref<10000xi32, #tpu.memory_space<vmem>> -> memref<400xi32, #tpu.memory_space<vmem>>
      %dma_start3A_377 = arith.constant 0 : i32
      %dma_start3A_378 = arith.constant 0 : i32
      %dma_start3A_379 = tpu.memref_slice %arg2[%dma_start3A_377, %dma_start3A_378] : memref<50048x16xf32, #tpu.memory_space<hbm>> -> memref<50048x16xf32, #tpu.memory_space<hbm>>
      tpu.enqueue_indirect_dma source(%dma_start3A_379 : memref<50048x16xf32, #tpu.memory_space<hbm>>) target(%dma_start3A_372 : memref<400x16xf32, #tpu.memory_space<vmem>>) offsets(%dma_start3A_376 : memref<400xi32, #tpu.memory_space<vmem>>) semaphore(%arg10 : memref<!tpu.dma_semaphore, #tpu.memory_space<semaphore_mem>>)
      %ge3A_380 = arith.constant 3 : i32
      %ge3A_381 = arith.cmpi sge, %scan3A_360, %ge3A_380 : i32
      %convert_element_type3A_382 = arith.extui %ge3A_381 : i1 to i32
      %cond3A_383 = arith.constant 0 : i32
      %cond3A_384 = arith.cmpi ne, %convert_element_type3A_382, %cond3A_383 : i32
      scf.if %cond3A_384 {
        %sub3A = arith.constant 3 : i32
        %sub3A_385 = arith.subi %scan3A_360, %sub3A : i32
        %dma_wait3A_386 = arith.constant 0 : i32
        %dma_wait3A_387 = arith.constant 0 : i32
        %dma_wait3A_388 = arith.constant 0 : i32
        %dma_wait3A_389 = tpu.memref_slice %arg9[%dma_wait3A_386, %dma_wait3A_387, %dma_wait3A_388] : memref<6x400x16xf32, #tpu.memory_space<vmem>> -> memref<1x400x16xf32, #tpu.memory_space<vmem>>
        %dma_wait3A_390 = tpu.memref_squeeze %dma_wait3A_389 : memref<1x400x16xf32, #tpu.memory_space<vmem>> -> memref<400x16xf32, #tpu.memory_space<vmem>>
        %dma_wait3A_391 = arith.constant 0 : i32
        %dma_wait3A_392 = arith.constant 0 : i32
        %dma_wait3A_393 = tpu.memref_slice %arg2[%dma_wait3A_391, %dma_wait3A_392] : memref<50048x16xf32, #tpu.memory_space<hbm>> -> memref<400x16xf32, #tpu.memory_space<hbm>>
        %dma_wait3A_394 = arith.constant 0 : i32
        %dma_wait3A_395 = arith.constant 0 : i32
        %dma_wait3A_396 = tpu.memref_slice %arg9[%dma_wait3A_386, %dma_wait3A_394, %dma_wait3A_395] : memref<6x400x16xf32, #tpu.memory_space<vmem>> -> memref<1x400x16xf32, #tpu.memory_space<vmem>>
        %dma_wait3A_397 = tpu.memref_squeeze %dma_wait3A_396 : memref<1x400x16xf32, #tpu.memory_space<vmem>> -> memref<400x16xf32, #tpu.memory_space<vmem>>
        %dma_wait3A_398 = arith.constant 0 : i32
        %dma_wait3A_399 = arith.constant 0 : i32
        %dma_wait3A_400 = tpu.memref_slice %arg2[%dma_wait3A_398, %dma_wait3A_399] : memref<50048x16xf32, #tpu.memory_space<hbm>> -> memref<400x16xf32, #tpu.memory_space<hbm>>
        tpu.wait_dma2 semaphore(%arg10 : memref<!tpu.dma_semaphore, #tpu.memory_space<semaphore_mem>>) src(%dma_wait3A_400 : memref<400x16xf32, #tpu.memory_space<hbm>>) dst(%dma_wait3A_397 : memref<400x16xf32, #tpu.memory_space<vmem>>)
        %rem3A_401 = arith.constant 6 : i32
        %rem3A_402 = arith.remsi %sub3A_385, %rem3A_401 : i32
        %mul3A_403 = arith.constant 400 : i32
        %mul3A_404 = arith.muli %sub3A_385, %mul3A_403 : i32
        %dma_start3A_405 = arith.constant 1 : i32
        %dma_start3A_406 = arith.constant 0 : i32
        %dma_start3A_407 = arith.constant 0 : i32
        %dma_start3A_408 = tpu.memref_slice %arg9[%rem3A_402, %dma_start3A_406, %dma_start3A_407] : memref<6x400x16xf32, #tpu.memory_space<vmem>> -> memref<1x400x16xf32, #tpu.memory_space<vmem>>
        %dma_start3A_409 = tpu.memref_squeeze %dma_start3A_408 : memref<1x400x16xf32, #tpu.memory_space<vmem>> -> memref<400x16xf32, #tpu.memory_space<vmem>>
        %dma_start3A_410 = arith.constant 0 : i32
        %dma_start3A_411 = tpu.memref_slice %arg8[%dma_start3A_405, %dma_start3A_410] : memref<2x10000xi32, #tpu.memory_space<vmem>> -> memref<1x10000xi32, #tpu.memory_space<vmem>>
        %dma_start3A_412 = tpu.memref_squeeze %dma_start3A_411 : memref<1x10000xi32, #tpu.memory_space<vmem>> -> memref<10000xi32, #tpu.memory_space<vmem>>
        %dma_start3A_413 = tpu.memref_slice %dma_start3A_412[%mul3A_404] : memref<10000xi32, #tpu.memory_space<vmem>> -> memref<400xi32, #tpu.memory_space<vmem>>
        %dma_start3A_414 = arith.constant 0 : i32
        %dma_start3A_415 = arith.constant 0 : i32
        %dma_start3A_416 = tpu.memref_slice %arg6[%dma_start3A_414, %dma_start3A_415] : memref<50048x16xf32, #tpu.memory_space<vmem_shared>> -> memref<50048x16xf32, #tpu.memory_space<vmem_shared>>
        tpu.enqueue_indirect_dma source(%dma_start3A_409 : memref<400x16xf32, #tpu.memory_space<vmem>>) target(%dma_start3A_416 : memref<50048x16xf32, #tpu.memory_space<vmem_shared>>) offsets(%dma_start3A_413 : memref<400xi32, #tpu.memory_space<vmem>>) semaphore(%arg11 : memref<!tpu.dma_semaphore, #tpu.memory_space<semaphore_mem>>) {add = true}
      } else {
      }
    }
    %scan3A_160 = arith.constant 25 : i32
    %scan3A_161 = arith.constant 0 : i32
    %scan3A_162 = arith.constant 22 : i32
    %scan3A_163 = arith.constant 3 : i32
    %scan3A_164 = arith.addi %scan3A_162, %scan3A_163 : i32
    %scan3A_165 = arith.constant 1 : i32
    scf.for %scan3A_360 = %scan3A_162 to %scan3A_164 step %scan3A_165  : i32 {
      %dma_wait3A_361 = arith.constant 0 : i32
      %dma_wait3A_362 = arith.constant 0 : i32
      %dma_wait3A_363 = arith.constant 0 : i32
      %dma_wait3A_364 = tpu.memref_slice %arg9[%dma_wait3A_361, %dma_wait3A_362, %dma_wait3A_363] : memref<6x400x16xf32, #tpu.memory_space<vmem>> -> memref<1x400x16xf32, #tpu.memory_space<vmem>>
      %dma_wait3A_365 = tpu.memref_squeeze %dma_wait3A_364 : memref<1x400x16xf32, #tpu.memory_space<vmem>> -> memref<400x16xf32, #tpu.memory_space<vmem>>
      %dma_wait3A_366 = arith.constant 0 : i32
      %dma_wait3A_367 = arith.constant 0 : i32
      %dma_wait3A_368 = tpu.memref_slice %arg2[%dma_wait3A_366, %dma_wait3A_367] : memref<50048x16xf32, #tpu.memory_space<hbm>> -> memref<400x16xf32, #tpu.memory_space<hbm>>
      %dma_wait3A_369 = arith.constant 0 : i32
      %dma_wait3A_370 = arith.constant 0 : i32
      %dma_wait3A_371 = tpu.memref_slice %arg9[%dma_wait3A_361, %dma_wait3A_369, %dma_wait3A_370] : memref<6x400x16xf32, #tpu.memory_space<vmem>> -> memref<1x400x16xf32, #tpu.memory_space<vmem>>
      %dma_wait3A_372 = tpu.memref_squeeze %dma_wait3A_371 : memref<1x400x16xf32, #tpu.memory_space<vmem>> -> memref<400x16xf32, #tpu.memory_space<vmem>>
      %dma_wait3A_373 = arith.constant 0 : i32
      %dma_wait3A_374 = arith.constant 0 : i32
      %dma_wait3A_375 = tpu.memref_slice %arg2[%dma_wait3A_373, %dma_wait3A_374] : memref<50048x16xf32, #tpu.memory_space<hbm>> -> memref<400x16xf32, #tpu.memory_space<hbm>>
      tpu.wait_dma2 semaphore(%arg10 : memref<!tpu.dma_semaphore, #tpu.memory_space<semaphore_mem>>) src(%dma_wait3A_375 : memref<400x16xf32, #tpu.memory_space<hbm>>) dst(%dma_wait3A_372 : memref<400x16xf32, #tpu.memory_space<vmem>>)
      %rem3A = arith.constant 6 : i32
      %rem3A_376 = arith.remsi %scan3A_360, %rem3A : i32
      %mul3A_377 = arith.constant 400 : i32
      %mul3A_378 = arith.muli %scan3A_360, %mul3A_377 : i32
      %dma_start3A_379 = arith.constant 1 : i32
      %dma_start3A_380 = arith.constant 0 : i32
      %dma_start3A_381 = arith.constant 0 : i32
      %dma_start3A_382 = tpu.memref_slice %arg9[%rem3A_376, %dma_start3A_380, %dma_start3A_381] : memref<6x400x16xf32, #tpu.memory_space<vmem>> -> memref<1x400x16xf32, #tpu.memory_space<vmem>>
      %dma_start3A_383 = tpu.memref_squeeze %dma_start3A_382 : memref<1x400x16xf32, #tpu.memory_space<vmem>> -> memref<400x16xf32, #tpu.memory_space<vmem>>
      %dma_start3A_384 = arith.constant 0 : i32
      %dma_start3A_385 = tpu.memref_slice %arg8[%dma_start3A_379, %dma_start3A_384] : memref<2x10000xi32, #tpu.memory_space<vmem>> -> memref<1x10000xi32, #tpu.memory_space<vmem>>
      %dma_start3A_386 = tpu.memref_squeeze %dma_start3A_385 : memref<1x10000xi32, #tpu.memory_space<vmem>> -> memref<10000xi32, #tpu.memory_space<vmem>>
      %dma_start3A_387 = tpu.memref_slice %dma_start3A_386[%mul3A_378] : memref<10000xi32, #tpu.memory_space<vmem>> -> memref<400xi32, #tpu.memory_space<vmem>>
      %dma_start3A_388 = arith.constant 0 : i32
      %dma_start3A_389 = arith.constant 0 : i32
      %dma_start3A_390 = tpu.memref_slice %arg6[%dma_start3A_388, %dma_start3A_389] : memref<50048x16xf32, #tpu.memory_space<vmem_shared>> -> memref<50048x16xf32, #tpu.memory_space<vmem_shared>>
      tpu.enqueue_indirect_dma source(%dma_start3A_383 : memref<400x16xf32, #tpu.memory_space<vmem>>) target(%dma_start3A_390 : memref<50048x16xf32, #tpu.memory_space<vmem_shared>>) offsets(%dma_start3A_387 : memref<400xi32, #tpu.memory_space<vmem>>) semaphore(%arg11 : memref<!tpu.dma_semaphore, #tpu.memory_space<semaphore_mem>>) {add = true}
    }
    %scan3A_166 = arith.constant 3 : i32
    %scan3A_167 = arith.constant 0 : i32
    %scan3A_168 = arith.constant 0 : i32
    %scan3A_169 = arith.constant 6 : i32
    %scan3A_170 = arith.addi %scan3A_168, %scan3A_169 : i32
    %scan3A_171 = arith.constant 1 : i32
    scf.for %scan3A_360 = %scan3A_168 to %scan3A_170 step %scan3A_171  : i32 {
      %dma_wait3A_361 = arith.constant 0 : i32
      %dma_wait3A_362 = arith.constant 0 : i32
      %dma_wait3A_363 = arith.constant 0 : i32
      %dma_wait3A_364 = tpu.memref_slice %arg9[%dma_wait3A_361, %dma_wait3A_362, %dma_wait3A_363] : memref<6x400x16xf32, #tpu.memory_space<vmem>> -> memref<1x400x16xf32, #tpu.memory_space<vmem>>
      %dma_wait3A_365 = tpu.memref_squeeze %dma_wait3A_364 : memref<1x400x16xf32, #tpu.memory_space<vmem>> -> memref<400x16xf32, #tpu.memory_space<vmem>>
      %dma_wait3A_366 = arith.constant 0 : i32
      %dma_wait3A_367 = arith.constant 0 : i32
      %dma_wait3A_368 = tpu.memref_slice %arg2[%dma_wait3A_366, %dma_wait3A_367] : memref<50048x16xf32, #tpu.memory_space<hbm>> -> memref<400x16xf32, #tpu.memory_space<hbm>>
      %dma_wait3A_369 = arith.constant 0 : i32
      %dma_wait3A_370 = arith.constant 0 : i32
      %dma_wait3A_371 = tpu.memref_slice %arg9[%dma_wait3A_361, %dma_wait3A_369, %dma_wait3A_370] : memref<6x400x16xf32, #tpu.memory_space<vmem>> -> memref<1x400x16xf32, #tpu.memory_space<vmem>>
      %dma_wait3A_372 = tpu.memref_squeeze %dma_wait3A_371 : memref<1x400x16xf32, #tpu.memory_space<vmem>> -> memref<400x16xf32, #tpu.memory_space<vmem>>
      %dma_wait3A_373 = arith.constant 0 : i32
      %dma_wait3A_374 = arith.constant 0 : i32
      %dma_wait3A_375 = tpu.memref_slice %arg2[%dma_wait3A_373, %dma_wait3A_374] : memref<50048x16xf32, #tpu.memory_space<hbm>> -> memref<400x16xf32, #tpu.memory_space<hbm>>
      tpu.wait_dma2 semaphore(%arg11 : memref<!tpu.dma_semaphore, #tpu.memory_space<semaphore_mem>>) src(%dma_wait3A_375 : memref<400x16xf32, #tpu.memory_space<hbm>>) dst(%dma_wait3A_372 : memref<400x16xf32, #tpu.memory_space<vmem>>)
    }
    %scan3A_172 = arith.constant 6 : i32
    %dma_wait3A_173 = arith.constant 0 : i32
    %dma_wait3A_174 = arith.constant 0 : i32
    %dma_wait3A_175 = arith.constant 0 : i32
    %dma_wait3A_176 = tpu.memref_slice %arg7[%dma_wait3A_174, %dma_wait3A_175] : memref<2x10000xi32, #tpu.memory_space<vmem>> -> memref<1x10000xi32, #tpu.memory_space<vmem>>
    %dma_wait3A_177 = tpu.memref_squeeze %dma_wait3A_176 : memref<1x10000xi32, #tpu.memory_space<vmem>> -> memref<10000xi32, #tpu.memory_space<vmem>>
    %dma_wait3A_178 = tpu.memref_slice %arg4[%dma_wait3A_173, %add3A_130] : memref<2x1600000xi32, #tpu.memory_space<hbm>> -> memref<1x10000xi32, #tpu.memory_space<hbm>>
    %dma_wait3A_179 = tpu.memref_squeeze %dma_wait3A_178 : memref<1x10000xi32, #tpu.memory_space<hbm>> -> memref<10000xi32, #tpu.memory_space<hbm>>
    %dma_wait3A_180 = arith.constant 0 : i32
    %dma_wait3A_181 = tpu.memref_slice %arg7[%dma_wait3A_174, %dma_wait3A_180] : memref<2x10000xi32, #tpu.memory_space<vmem>> -> memref<1x10000xi32, #tpu.memory_space<vmem>>
    %dma_wait3A_182 = tpu.memref_squeeze %dma_wait3A_181 : memref<1x10000xi32, #tpu.memory_space<vmem>> -> memref<10000xi32, #tpu.memory_space<vmem>>
    %dma_wait3A_183 = tpu.memref_slice %arg4[%dma_wait3A_173, %add3A_130] : memref<2x1600000xi32, #tpu.memory_space<hbm>> -> memref<1x10000xi32, #tpu.memory_space<hbm>>
    %dma_wait3A_184 = tpu.memref_squeeze %dma_wait3A_183 : memref<1x10000xi32, #tpu.memory_space<hbm>> -> memref<10000xi32, #tpu.memory_space<hbm>>
    tpu.wait_dma2 semaphore(%arg12 : memref<!tpu.dma_semaphore, #tpu.memory_space<semaphore_mem>>) src(%dma_wait3A_184 : memref<10000xi32, #tpu.memory_space<hbm>>) dst(%dma_wait3A_182 : memref<10000xi32, #tpu.memory_space<vmem>>)
    %dma_wait3A_185 = arith.constant 1 : i32
    %dma_wait3A_186 = arith.constant 0 : i32
    %dma_wait3A_187 = arith.constant 0 : i32
    %dma_wait3A_188 = tpu.memref_slice %arg8[%dma_wait3A_186, %dma_wait3A_187] : memref<2x10000xi32, #tpu.memory_space<vmem>> -> memref<1x10000xi32, #tpu.memory_space<vmem>>
    %dma_wait3A_189 = tpu.memref_squeeze %dma_wait3A_188 : memref<1x10000xi32, #tpu.memory_space<vmem>> -> memref<10000xi32, #tpu.memory_space<vmem>>
    %dma_wait3A_190 = tpu.memref_slice %arg4[%dma_wait3A_185, %add3A_130] : memref<2x1600000xi32, #tpu.memory_space<hbm>> -> memref<1x10000xi32, #tpu.memory_space<hbm>>
    %dma_wait3A_191 = tpu.memref_squeeze %dma_wait3A_190 : memref<1x10000xi32, #tpu.memory_space<hbm>> -> memref<10000xi32, #tpu.memory_space<hbm>>
    %dma_wait3A_192 = arith.constant 0 : i32
    %dma_wait3A_193 = tpu.memref_slice %arg8[%dma_wait3A_186, %dma_wait3A_192] : memref<2x10000xi32, #tpu.memory_space<vmem>> -> memref<1x10000xi32, #tpu.memory_space<vmem>>
    %dma_wait3A_194 = tpu.memref_squeeze %dma_wait3A_193 : memref<1x10000xi32, #tpu.memory_space<vmem>> -> memref<10000xi32, #tpu.memory_space<vmem>>
    %dma_wait3A_195 = tpu.memref_slice %arg4[%dma_wait3A_185, %add3A_130] : memref<2x1600000xi32, #tpu.memory_space<hbm>> -> memref<1x10000xi32, #tpu.memory_space<hbm>>
    %dma_wait3A_196 = tpu.memref_squeeze %dma_wait3A_195 : memref<1x10000xi32, #tpu.memory_space<hbm>> -> memref<10000xi32, #tpu.memory_space<hbm>>
    tpu.wait_dma2 semaphore(%arg12 : memref<!tpu.dma_semaphore, #tpu.memory_space<semaphore_mem>>) src(%dma_wait3A_196 : memref<10000xi32, #tpu.memory_space<hbm>>) dst(%dma_wait3A_194 : memref<10000xi32, #tpu.memory_space<vmem>>)
    %mul3A_197 = arith.constant 50000 : i32
    %mul3A_198 = arith.muli %add3A, %mul3A_197 : i32
    %add3A_199 = arith.constant 30000 : i32
    %add3A_200 = arith.addi %mul3A_198, %add3A_199 : i32
    %dma_start3A_201 = arith.constant 0 : i32
    %dma_start3A_202 = arith.constant 1 : i32
    %dma_start3A_203 = arith.constant 0 : i32
    %dma_start3A_204 = tpu.memref_slice %arg7[%dma_start3A_202, %dma_start3A_203] : memref<2x10000xi32, #tpu.memory_space<vmem>> -> memref<1x10000xi32, #tpu.memory_space<vmem>>
    %dma_start3A_205 = tpu.memref_squeeze %dma_start3A_204 : memref<1x10000xi32, #tpu.memory_space<vmem>> -> memref<10000xi32, #tpu.memory_space<vmem>>
    %dma_start3A_206 = tpu.memref_slice %arg4[%dma_start3A_201, %add3A_200] : memref<2x1600000xi32, #tpu.memory_space<hbm>> -> memref<1x10000xi32, #tpu.memory_space<hbm>>
    %dma_start3A_207 = tpu.memref_squeeze %dma_start3A_206 : memref<1x10000xi32, #tpu.memory_space<hbm>> -> memref<10000xi32, #tpu.memory_space<hbm>>
    %dma_start3A_208 = arith.constant 0 : i32
    %dma_start3A_209 = tpu.memref_slice %arg7[%dma_start3A_202, %dma_start3A_208] : memref<2x10000xi32, #tpu.memory_space<vmem>> -> memref<1x10000xi32, #tpu.memory_space<vmem>>
    %dma_start3A_210 = tpu.memref_squeeze %dma_start3A_209 : memref<1x10000xi32, #tpu.memory_space<vmem>> -> memref<10000xi32, #tpu.memory_space<vmem>>
    %dma_start3A_211 = tpu.memref_slice %arg4[%dma_start3A_201, %add3A_200] : memref<2x1600000xi32, #tpu.memory_space<hbm>> -> memref<1x10000xi32, #tpu.memory_space<hbm>>
    %dma_start3A_212 = tpu.memref_squeeze %dma_start3A_211 : memref<1x10000xi32, #tpu.memory_space<hbm>> -> memref<10000xi32, #tpu.memory_space<hbm>>
    tpu.enqueue_dma source(%dma_start3A_212 : memref<10000xi32, #tpu.memory_space<hbm>>) target(%dma_start3A_210 : memref<10000xi32, #tpu.memory_space<vmem>>) target_semaphore(%arg12 : memref<!tpu.dma_semaphore, #tpu.memory_space<semaphore_mem>>)
    %dma_start3A_213 = arith.constant 1 : i32
    %dma_start3A_214 = arith.constant 1 : i32
    %dma_start3A_215 = arith.constant 0 : i32
    %dma_start3A_216 = tpu.memref_slice %arg8[%dma_start3A_214, %dma_start3A_215] : memref<2x10000xi32, #tpu.memory_space<vmem>> -> memref<1x10000xi32, #tpu.memory_space<vmem>>
    %dma_start3A_217 = tpu.memref_squeeze %dma_start3A_216 : memref<1x10000xi32, #tpu.memory_space<vmem>> -> memref<10000xi32, #tpu.memory_space<vmem>>
    %dma_start3A_218 = tpu.memref_slice %arg4[%dma_start3A_213, %add3A_200] : memref<2x1600000xi32, #tpu.memory_space<hbm>> -> memref<1x10000xi32, #tpu.memory_space<hbm>>
    %dma_start3A_219 = tpu.memref_squeeze %dma_start3A_218 : memref<1x10000xi32, #tpu.memory_space<hbm>> -> memref<10000xi32, #tpu.memory_space<hbm>>
    %dma_start3A_220 = arith.constant 0 : i32
    %dma_start3A_221 = tpu.memref_slice %arg8[%dma_start3A_214, %dma_start3A_220] : memref<2x10000xi32, #tpu.memory_space<vmem>> -> memref<1x10000xi32, #tpu.memory_space<vmem>>
    %dma_start3A_222 = tpu.memref_squeeze %dma_start3A_221 : memref<1x10000xi32, #tpu.memory_space<vmem>> -> memref<10000xi32, #tpu.memory_space<vmem>>
    %dma_start3A_223 = tpu.memref_slice %arg4[%dma_start3A_213, %add3A_200] : memref<2x1600000xi32, #tpu.memory_space<hbm>> -> memref<1x10000xi32, #tpu.memory_space<hbm>>
    %dma_start3A_224 = tpu.memref_squeeze %dma_start3A_223 : memref<1x10000xi32, #tpu.memory_space<hbm>> -> memref<10000xi32, #tpu.memory_space<hbm>>
    tpu.enqueue_dma source(%dma_start3A_224 : memref<10000xi32, #tpu.memory_space<hbm>>) target(%dma_start3A_222 : memref<10000xi32, #tpu.memory_space<vmem>>) target_semaphore(%arg12 : memref<!tpu.dma_semaphore, #tpu.memory_space<semaphore_mem>>)
    %scan3A_225 = arith.constant 0 : i32
    %scan3A_226 = arith.constant 0 : i32
    %scan3A_227 = arith.constant 25 : i32
    %scan3A_228 = arith.addi %scan3A_226, %scan3A_227 : i32
    %scan3A_229 = arith.constant 1 : i32
    scf.for %scan3A_360 = %scan3A_226 to %scan3A_228 step %scan3A_229  : i32 {
      %ge3A = arith.constant 6 : i32
      %ge3A_361 = arith.cmpi sge, %scan3A_360, %ge3A : i32
      %convert_element_type3A_362 = arith.extui %ge3A_361 : i1 to i32
      %cond3A_363 = arith.constant 0 : i32
      %cond3A_364 = arith.cmpi ne, %convert_element_type3A_362, %cond3A_363 : i32
      scf.if %cond3A_364 {
        %dma_wait3A_385 = arith.constant 0 : i32
        %dma_wait3A_386 = arith.constant 0 : i32
        %dma_wait3A_387 = arith.constant 0 : i32
        %dma_wait3A_388 = tpu.memref_slice %arg9[%dma_wait3A_385, %dma_wait3A_386, %dma_wait3A_387] : memref<6x400x16xf32, #tpu.memory_space<vmem>> -> memref<1x400x16xf32, #tpu.memory_space<vmem>>
        %dma_wait3A_389 = tpu.memref_squeeze %dma_wait3A_388 : memref<1x400x16xf32, #tpu.memory_space<vmem>> -> memref<400x16xf32, #tpu.memory_space<vmem>>
        %dma_wait3A_390 = arith.constant 0 : i32
        %dma_wait3A_391 = arith.constant 0 : i32
        %dma_wait3A_392 = tpu.memref_slice %arg2[%dma_wait3A_390, %dma_wait3A_391] : memref<50048x16xf32, #tpu.memory_space<hbm>> -> memref<400x16xf32, #tpu.memory_space<hbm>>
        %dma_wait3A_393 = arith.constant 0 : i32
        %dma_wait3A_394 = arith.constant 0 : i32
        %dma_wait3A_395 = tpu.memref_slice %arg9[%dma_wait3A_385, %dma_wait3A_393, %dma_wait3A_394] : memref<6x400x16xf32, #tpu.memory_space<vmem>> -> memref<1x400x16xf32, #tpu.memory_space<vmem>>
        %dma_wait3A_396 = tpu.memref_squeeze %dma_wait3A_395 : memref<1x400x16xf32, #tpu.memory_space<vmem>> -> memref<400x16xf32, #tpu.memory_space<vmem>>
        %dma_wait3A_397 = arith.constant 0 : i32
        %dma_wait3A_398 = arith.constant 0 : i32
        %dma_wait3A_399 = tpu.memref_slice %arg2[%dma_wait3A_397, %dma_wait3A_398] : memref<50048x16xf32, #tpu.memory_space<hbm>> -> memref<400x16xf32, #tpu.memory_space<hbm>>
        tpu.wait_dma2 semaphore(%arg11 : memref<!tpu.dma_semaphore, #tpu.memory_space<semaphore_mem>>) src(%dma_wait3A_399 : memref<400x16xf32, #tpu.memory_space<hbm>>) dst(%dma_wait3A_396 : memref<400x16xf32, #tpu.memory_space<vmem>>)
      } else {
      }
      %mul3A_365 = arith.constant 400 : i32
      %mul3A_366 = arith.muli %scan3A_360, %mul3A_365 : i32
      %rem3A = arith.constant 6 : i32
      %rem3A_367 = arith.remsi %scan3A_360, %rem3A : i32
      %dma_start3A_368 = arith.constant 0 : i32
      %dma_start3A_369 = arith.constant 0 : i32
      %dma_start3A_370 = arith.constant 0 : i32
      %dma_start3A_371 = tpu.memref_slice %arg9[%rem3A_367, %dma_start3A_369, %dma_start3A_370] : memref<6x400x16xf32, #tpu.memory_space<vmem>> -> memref<1x400x16xf32, #tpu.memory_space<vmem>>
      %dma_start3A_372 = tpu.memref_squeeze %dma_start3A_371 : memref<1x400x16xf32, #tpu.memory_space<vmem>> -> memref<400x16xf32, #tpu.memory_space<vmem>>
      %dma_start3A_373 = arith.constant 0 : i32
      %dma_start3A_374 = tpu.memref_slice %arg7[%dma_start3A_368, %dma_start3A_373] : memref<2x10000xi32, #tpu.memory_space<vmem>> -> memref<1x10000xi32, #tpu.memory_space<vmem>>
      %dma_start3A_375 = tpu.memref_squeeze %dma_start3A_374 : memref<1x10000xi32, #tpu.memory_space<vmem>> -> memref<10000xi32, #tpu.memory_space<vmem>>
      %dma_start3A_376 = tpu.memref_slice %dma_start3A_375[%mul3A_366] : memref<10000xi32, #tpu.memory_space<vmem>> -> memref<400xi32, #tpu.memory_space<vmem>>
      %dma_start3A_377 = arith.constant 0 : i32
      %dma_start3A_378 = arith.constant 0 : i32
      %dma_start3A_379 = tpu.memref_slice %arg2[%dma_start3A_377, %dma_start3A_378] : memref<50048x16xf32, #tpu.memory_space<hbm>> -> memref<50048x16xf32, #tpu.memory_space<hbm>>
      tpu.enqueue_indirect_dma source(%dma_start3A_379 : memref<50048x16xf32, #tpu.memory_space<hbm>>) target(%dma_start3A_372 : memref<400x16xf32, #tpu.memory_space<vmem>>) offsets(%dma_start3A_376 : memref<400xi32, #tpu.memory_space<vmem>>) semaphore(%arg10 : memref<!tpu.dma_semaphore, #tpu.memory_space<semaphore_mem>>)
      %ge3A_380 = arith.constant 3 : i32
      %ge3A_381 = arith.cmpi sge, %scan3A_360, %ge3A_380 : i32
      %convert_element_type3A_382 = arith.extui %ge3A_381 : i1 to i32
      %cond3A_383 = arith.constant 0 : i32
      %cond3A_384 = arith.cmpi ne, %convert_element_type3A_382, %cond3A_383 : i32
      scf.if %cond3A_384 {
        %sub3A = arith.constant 3 : i32
        %sub3A_385 = arith.subi %scan3A_360, %sub3A : i32
        %dma_wait3A_386 = arith.constant 0 : i32
        %dma_wait3A_387 = arith.constant 0 : i32
        %dma_wait3A_388 = arith.constant 0 : i32
        %dma_wait3A_389 = tpu.memref_slice %arg9[%dma_wait3A_386, %dma_wait3A_387, %dma_wait3A_388] : memref<6x400x16xf32, #tpu.memory_space<vmem>> -> memref<1x400x16xf32, #tpu.memory_space<vmem>>
        %dma_wait3A_390 = tpu.memref_squeeze %dma_wait3A_389 : memref<1x400x16xf32, #tpu.memory_space<vmem>> -> memref<400x16xf32, #tpu.memory_space<vmem>>
        %dma_wait3A_391 = arith.constant 0 : i32
        %dma_wait3A_392 = arith.constant 0 : i32
        %dma_wait3A_393 = tpu.memref_slice %arg2[%dma_wait3A_391, %dma_wait3A_392] : memref<50048x16xf32, #tpu.memory_space<hbm>> -> memref<400x16xf32, #tpu.memory_space<hbm>>
        %dma_wait3A_394 = arith.constant 0 : i32
        %dma_wait3A_395 = arith.constant 0 : i32
        %dma_wait3A_396 = tpu.memref_slice %arg9[%dma_wait3A_386, %dma_wait3A_394, %dma_wait3A_395] : memref<6x400x16xf32, #tpu.memory_space<vmem>> -> memref<1x400x16xf32, #tpu.memory_space<vmem>>
        %dma_wait3A_397 = tpu.memref_squeeze %dma_wait3A_396 : memref<1x400x16xf32, #tpu.memory_space<vmem>> -> memref<400x16xf32, #tpu.memory_space<vmem>>
        %dma_wait3A_398 = arith.constant 0 : i32
        %dma_wait3A_399 = arith.constant 0 : i32
        %dma_wait3A_400 = tpu.memref_slice %arg2[%dma_wait3A_398, %dma_wait3A_399] : memref<50048x16xf32, #tpu.memory_space<hbm>> -> memref<400x16xf32, #tpu.memory_space<hbm>>
        tpu.wait_dma2 semaphore(%arg10 : memref<!tpu.dma_semaphore, #tpu.memory_space<semaphore_mem>>) src(%dma_wait3A_400 : memref<400x16xf32, #tpu.memory_space<hbm>>) dst(%dma_wait3A_397 : memref<400x16xf32, #tpu.memory_space<vmem>>)
        %rem3A_401 = arith.constant 6 : i32
        %rem3A_402 = arith.remsi %sub3A_385, %rem3A_401 : i32
        %mul3A_403 = arith.constant 400 : i32
        %mul3A_404 = arith.muli %sub3A_385, %mul3A_403 : i32
        %dma_start3A_405 = arith.constant 0 : i32
        %dma_start3A_406 = arith.constant 0 : i32
        %dma_start3A_407 = arith.constant 0 : i32
        %dma_start3A_408 = tpu.memref_slice %arg9[%rem3A_402, %dma_start3A_406, %dma_start3A_407] : memref<6x400x16xf32, #tpu.memory_space<vmem>> -> memref<1x400x16xf32, #tpu.memory_space<vmem>>
        %dma_start3A_409 = tpu.memref_squeeze %dma_start3A_408 : memref<1x400x16xf32, #tpu.memory_space<vmem>> -> memref<400x16xf32, #tpu.memory_space<vmem>>
        %dma_start3A_410 = arith.constant 0 : i32
        %dma_start3A_411 = tpu.memref_slice %arg8[%dma_start3A_405, %dma_start3A_410] : memref<2x10000xi32, #tpu.memory_space<vmem>> -> memref<1x10000xi32, #tpu.memory_space<vmem>>
        %dma_start3A_412 = tpu.memref_squeeze %dma_start3A_411 : memref<1x10000xi32, #tpu.memory_space<vmem>> -> memref<10000xi32, #tpu.memory_space<vmem>>
        %dma_start3A_413 = tpu.memref_slice %dma_start3A_412[%mul3A_404] : memref<10000xi32, #tpu.memory_space<vmem>> -> memref<400xi32, #tpu.memory_space<vmem>>
        %dma_start3A_414 = arith.constant 0 : i32
        %dma_start3A_415 = arith.constant 0 : i32
        %dma_start3A_416 = tpu.memref_slice %arg6[%dma_start3A_414, %dma_start3A_415] : memref<50048x16xf32, #tpu.memory_space<vmem_shared>> -> memref<50048x16xf32, #tpu.memory_space<vmem_shared>>
        tpu.enqueue_indirect_dma source(%dma_start3A_409 : memref<400x16xf32, #tpu.memory_space<vmem>>) target(%dma_start3A_416 : memref<50048x16xf32, #tpu.memory_space<vmem_shared>>) offsets(%dma_start3A_413 : memref<400xi32, #tpu.memory_space<vmem>>) semaphore(%arg11 : memref<!tpu.dma_semaphore, #tpu.memory_space<semaphore_mem>>) {add = true}
      } else {
      }
    }
    %scan3A_230 = arith.constant 25 : i32
    %scan3A_231 = arith.constant 0 : i32
    %scan3A_232 = arith.constant 22 : i32
    %scan3A_233 = arith.constant 3 : i32
    %scan3A_234 = arith.addi %scan3A_232, %scan3A_233 : i32
    %scan3A_235 = arith.constant 1 : i32
    scf.for %scan3A_360 = %scan3A_232 to %scan3A_234 step %scan3A_235  : i32 {
      %dma_wait3A_361 = arith.constant 0 : i32
      %dma_wait3A_362 = arith.constant 0 : i32
      %dma_wait3A_363 = arith.constant 0 : i32
      %dma_wait3A_364 = tpu.memref_slice %arg9[%dma_wait3A_361, %dma_wait3A_362, %dma_wait3A_363] : memref<6x400x16xf32, #tpu.memory_space<vmem>> -> memref<1x400x16xf32, #tpu.memory_space<vmem>>
      %dma_wait3A_365 = tpu.memref_squeeze %dma_wait3A_364 : memref<1x400x16xf32, #tpu.memory_space<vmem>> -> memref<400x16xf32, #tpu.memory_space<vmem>>
      %dma_wait3A_366 = arith.constant 0 : i32
      %dma_wait3A_367 = arith.constant 0 : i32
      %dma_wait3A_368 = tpu.memref_slice %arg2[%dma_wait3A_366, %dma_wait3A_367] : memref<50048x16xf32, #tpu.memory_space<hbm>> -> memref<400x16xf32, #tpu.memory_space<hbm>>
      %dma_wait3A_369 = arith.constant 0 : i32
      %dma_wait3A_370 = arith.constant 0 : i32
      %dma_wait3A_371 = tpu.memref_slice %arg9[%dma_wait3A_361, %dma_wait3A_369, %dma_wait3A_370] : memref<6x400x16xf32, #tpu.memory_space<vmem>> -> memref<1x400x16xf32, #tpu.memory_space<vmem>>
      %dma_wait3A_372 = tpu.memref_squeeze %dma_wait3A_371 : memref<1x400x16xf32, #tpu.memory_space<vmem>> -> memref<400x16xf32, #tpu.memory_space<vmem>>
      %dma_wait3A_373 = arith.constant 0 : i32
      %dma_wait3A_374 = arith.constant 0 : i32
      %dma_wait3A_375 = tpu.memref_slice %arg2[%dma_wait3A_373, %dma_wait3A_374] : memref<50048x16xf32, #tpu.memory_space<hbm>> -> memref<400x16xf32, #tpu.memory_space<hbm>>
      tpu.wait_dma2 semaphore(%arg10 : memref<!tpu.dma_semaphore, #tpu.memory_space<semaphore_mem>>) src(%dma_wait3A_375 : memref<400x16xf32, #tpu.memory_space<hbm>>) dst(%dma_wait3A_372 : memref<400x16xf32, #tpu.memory_space<vmem>>)
      %rem3A = arith.constant 6 : i32
      %rem3A_376 = arith.remsi %scan3A_360, %rem3A : i32
      %mul3A_377 = arith.constant 400 : i32
      %mul3A_378 = arith.muli %scan3A_360, %mul3A_377 : i32
      %dma_start3A_379 = arith.constant 0 : i32
      %dma_start3A_380 = arith.constant 0 : i32
      %dma_start3A_381 = arith.constant 0 : i32
      %dma_start3A_382 = tpu.memref_slice %arg9[%rem3A_376, %dma_start3A_380, %dma_start3A_381] : memref<6x400x16xf32, #tpu.memory_space<vmem>> -> memref<1x400x16xf32, #tpu.memory_space<vmem>>
      %dma_start3A_383 = tpu.memref_squeeze %dma_start3A_382 : memref<1x400x16xf32, #tpu.memory_space<vmem>> -> memref<400x16xf32, #tpu.memory_space<vmem>>
      %dma_start3A_384 = arith.constant 0 : i32
      %dma_start3A_385 = tpu.memref_slice %arg8[%dma_start3A_379, %dma_start3A_384] : memref<2x10000xi32, #tpu.memory_space<vmem>> -> memref<1x10000xi32, #tpu.memory_space<vmem>>
      %dma_start3A_386 = tpu.memref_squeeze %dma_start3A_385 : memref<1x10000xi32, #tpu.memory_space<vmem>> -> memref<10000xi32, #tpu.memory_space<vmem>>
      %dma_start3A_387 = tpu.memref_slice %dma_start3A_386[%mul3A_378] : memref<10000xi32, #tpu.memory_space<vmem>> -> memref<400xi32, #tpu.memory_space<vmem>>
      %dma_start3A_388 = arith.constant 0 : i32
      %dma_start3A_389 = arith.constant 0 : i32
      %dma_start3A_390 = tpu.memref_slice %arg6[%dma_start3A_388, %dma_start3A_389] : memref<50048x16xf32, #tpu.memory_space<vmem_shared>> -> memref<50048x16xf32, #tpu.memory_space<vmem_shared>>
      tpu.enqueue_indirect_dma source(%dma_start3A_383 : memref<400x16xf32, #tpu.memory_space<vmem>>) target(%dma_start3A_390 : memref<50048x16xf32, #tpu.memory_space<vmem_shared>>) offsets(%dma_start3A_387 : memref<400xi32, #tpu.memory_space<vmem>>) semaphore(%arg11 : memref<!tpu.dma_semaphore, #tpu.memory_space<semaphore_mem>>) {add = true}
    }
    %scan3A_236 = arith.constant 3 : i32
    %scan3A_237 = arith.constant 0 : i32
    %scan3A_238 = arith.constant 0 : i32
    %scan3A_239 = arith.constant 6 : i32
    %scan3A_240 = arith.addi %scan3A_238, %scan3A_239 : i32
    %scan3A_241 = arith.constant 1 : i32
    scf.for %scan3A_360 = %scan3A_238 to %scan3A_240 step %scan3A_241  : i32 {
      %dma_wait3A_361 = arith.constant 0 : i32
      %dma_wait3A_362 = arith.constant 0 : i32
      %dma_wait3A_363 = arith.constant 0 : i32
      %dma_wait3A_364 = tpu.memref_slice %arg9[%dma_wait3A_361, %dma_wait3A_362, %dma_wait3A_363] : memref<6x400x16xf32, #tpu.memory_space<vmem>> -> memref<1x400x16xf32, #tpu.memory_space<vmem>>
      %dma_wait3A_365 = tpu.memref_squeeze %dma_wait3A_364 : memref<1x400x16xf32, #tpu.memory_space<vmem>> -> memref<400x16xf32, #tpu.memory_space<vmem>>
      %dma_wait3A_366 = arith.constant 0 : i32
      %dma_wait3A_367 = arith.constant 0 : i32
      %dma_wait3A_368 = tpu.memref_slice %arg2[%dma_wait3A_366, %dma_wait3A_367] : memref<50048x16xf32, #tpu.memory_space<hbm>> -> memref<400x16xf32, #tpu.memory_space<hbm>>
      %dma_wait3A_369 = arith.constant 0 : i32
      %dma_wait3A_370 = arith.constant 0 : i32
      %dma_wait3A_371 = tpu.memref_slice %arg9[%dma_wait3A_361, %dma_wait3A_369, %dma_wait3A_370] : memref<6x400x16xf32, #tpu.memory_space<vmem>> -> memref<1x400x16xf32, #tpu.memory_space<vmem>>
      %dma_wait3A_372 = tpu.memref_squeeze %dma_wait3A_371 : memref<1x400x16xf32, #tpu.memory_space<vmem>> -> memref<400x16xf32, #tpu.memory_space<vmem>>
      %dma_wait3A_373 = arith.constant 0 : i32
      %dma_wait3A_374 = arith.constant 0 : i32
      %dma_wait3A_375 = tpu.memref_slice %arg2[%dma_wait3A_373, %dma_wait3A_374] : memref<50048x16xf32, #tpu.memory_space<hbm>> -> memref<400x16xf32, #tpu.memory_space<hbm>>
      tpu.wait_dma2 semaphore(%arg11 : memref<!tpu.dma_semaphore, #tpu.memory_space<semaphore_mem>>) src(%dma_wait3A_375 : memref<400x16xf32, #tpu.memory_space<hbm>>) dst(%dma_wait3A_372 : memref<400x16xf32, #tpu.memory_space<vmem>>)
    }
    %scan3A_242 = arith.constant 6 : i32
    %dma_wait3A_243 = arith.constant 0 : i32
    %dma_wait3A_244 = arith.constant 1 : i32
    %dma_wait3A_245 = arith.constant 0 : i32
    %dma_wait3A_246 = tpu.memref_slice %arg7[%dma_wait3A_244, %dma_wait3A_245] : memref<2x10000xi32, #tpu.memory_space<vmem>> -> memref<1x10000xi32, #tpu.memory_space<vmem>>
    %dma_wait3A_247 = tpu.memref_squeeze %dma_wait3A_246 : memref<1x10000xi32, #tpu.memory_space<vmem>> -> memref<10000xi32, #tpu.memory_space<vmem>>
    %dma_wait3A_248 = tpu.memref_slice %arg4[%dma_wait3A_243, %add3A_200] : memref<2x1600000xi32, #tpu.memory_space<hbm>> -> memref<1x10000xi32, #tpu.memory_space<hbm>>
    %dma_wait3A_249 = tpu.memref_squeeze %dma_wait3A_248 : memref<1x10000xi32, #tpu.memory_space<hbm>> -> memref<10000xi32, #tpu.memory_space<hbm>>
    %dma_wait3A_250 = arith.constant 0 : i32
    %dma_wait3A_251 = tpu.memref_slice %arg7[%dma_wait3A_244, %dma_wait3A_250] : memref<2x10000xi32, #tpu.memory_space<vmem>> -> memref<1x10000xi32, #tpu.memory_space<vmem>>
    %dma_wait3A_252 = tpu.memref_squeeze %dma_wait3A_251 : memref<1x10000xi32, #tpu.memory_space<vmem>> -> memref<10000xi32, #tpu.memory_space<vmem>>
    %dma_wait3A_253 = tpu.memref_slice %arg4[%dma_wait3A_243, %add3A_200] : memref<2x1600000xi32, #tpu.memory_space<hbm>> -> memref<1x10000xi32, #tpu.memory_space<hbm>>
    %dma_wait3A_254 = tpu.memref_squeeze %dma_wait3A_253 : memref<1x10000xi32, #tpu.memory_space<hbm>> -> memref<10000xi32, #tpu.memory_space<hbm>>
    tpu.wait_dma2 semaphore(%arg12 : memref<!tpu.dma_semaphore, #tpu.memory_space<semaphore_mem>>) src(%dma_wait3A_254 : memref<10000xi32, #tpu.memory_space<hbm>>) dst(%dma_wait3A_252 : memref<10000xi32, #tpu.memory_space<vmem>>)
    %dma_wait3A_255 = arith.constant 1 : i32
    %dma_wait3A_256 = arith.constant 1 : i32
    %dma_wait3A_257 = arith.constant 0 : i32
    %dma_wait3A_258 = tpu.memref_slice %arg8[%dma_wait3A_256, %dma_wait3A_257] : memref<2x10000xi32, #tpu.memory_space<vmem>> -> memref<1x10000xi32, #tpu.memory_space<vmem>>
    %dma_wait3A_259 = tpu.memref_squeeze %dma_wait3A_258 : memref<1x10000xi32, #tpu.memory_space<vmem>> -> memref<10000xi32, #tpu.memory_space<vmem>>
    %dma_wait3A_260 = tpu.memref_slice %arg4[%dma_wait3A_255, %add3A_200] : memref<2x1600000xi32, #tpu.memory_space<hbm>> -> memref<1x10000xi32, #tpu.memory_space<hbm>>
    %dma_wait3A_261 = tpu.memref_squeeze %dma_wait3A_260 : memref<1x10000xi32, #tpu.memory_space<hbm>> -> memref<10000xi32, #tpu.memory_space<hbm>>
    %dma_wait3A_262 = arith.constant 0 : i32
    %dma_wait3A_263 = tpu.memref_slice %arg8[%dma_wait3A_256, %dma_wait3A_262] : memref<2x10000xi32, #tpu.memory_space<vmem>> -> memref<1x10000xi32, #tpu.memory_space<vmem>>
    %dma_wait3A_264 = tpu.memref_squeeze %dma_wait3A_263 : memref<1x10000xi32, #tpu.memory_space<vmem>> -> memref<10000xi32, #tpu.memory_space<vmem>>
    %dma_wait3A_265 = tpu.memref_slice %arg4[%dma_wait3A_255, %add3A_200] : memref<2x1600000xi32, #tpu.memory_space<hbm>> -> memref<1x10000xi32, #tpu.memory_space<hbm>>
    %dma_wait3A_266 = tpu.memref_squeeze %dma_wait3A_265 : memref<1x10000xi32, #tpu.memory_space<hbm>> -> memref<10000xi32, #tpu.memory_space<hbm>>
    tpu.wait_dma2 semaphore(%arg12 : memref<!tpu.dma_semaphore, #tpu.memory_space<semaphore_mem>>) src(%dma_wait3A_266 : memref<10000xi32, #tpu.memory_space<hbm>>) dst(%dma_wait3A_264 : memref<10000xi32, #tpu.memory_space<vmem>>)
    %mul3A_267 = arith.constant 50000 : i32
    %mul3A_268 = arith.muli %add3A, %mul3A_267 : i32
    %add3A_269 = arith.constant 40000 : i32
    %add3A_270 = arith.addi %mul3A_268, %add3A_269 : i32
    %dma_start3A_271 = arith.constant 0 : i32
    %dma_start3A_272 = arith.constant 0 : i32
    %dma_start3A_273 = arith.constant 0 : i32
    %dma_start3A_274 = tpu.memref_slice %arg7[%dma_start3A_272, %dma_start3A_273] : memref<2x10000xi32, #tpu.memory_space<vmem>> -> memref<1x10000xi32, #tpu.memory_space<vmem>>
    %dma_start3A_275 = tpu.memref_squeeze %dma_start3A_274 : memref<1x10000xi32, #tpu.memory_space<vmem>> -> memref<10000xi32, #tpu.memory_space<vmem>>
    %dma_start3A_276 = tpu.memref_slice %arg4[%dma_start3A_271, %add3A_270] : memref<2x1600000xi32, #tpu.memory_space<hbm>> -> memref<1x10000xi32, #tpu.memory_space<hbm>>
    %dma_start3A_277 = tpu.memref_squeeze %dma_start3A_276 : memref<1x10000xi32, #tpu.memory_space<hbm>> -> memref<10000xi32, #tpu.memory_space<hbm>>
    %dma_start3A_278 = arith.constant 0 : i32
    %dma_start3A_279 = tpu.memref_slice %arg7[%dma_start3A_272, %dma_start3A_278] : memref<2x10000xi32, #tpu.memory_space<vmem>> -> memref<1x10000xi32, #tpu.memory_space<vmem>>
    %dma_start3A_280 = tpu.memref_squeeze %dma_start3A_279 : memref<1x10000xi32, #tpu.memory_space<vmem>> -> memref<10000xi32, #tpu.memory_space<vmem>>
    %dma_start3A_281 = tpu.memref_slice %arg4[%dma_start3A_271, %add3A_270] : memref<2x1600000xi32, #tpu.memory_space<hbm>> -> memref<1x10000xi32, #tpu.memory_space<hbm>>
    %dma_start3A_282 = tpu.memref_squeeze %dma_start3A_281 : memref<1x10000xi32, #tpu.memory_space<hbm>> -> memref<10000xi32, #tpu.memory_space<hbm>>
    tpu.enqueue_dma source(%dma_start3A_282 : memref<10000xi32, #tpu.memory_space<hbm>>) target(%dma_start3A_280 : memref<10000xi32, #tpu.memory_space<vmem>>) target_semaphore(%arg12 : memref<!tpu.dma_semaphore, #tpu.memory_space<semaphore_mem>>)
    %dma_start3A_283 = arith.constant 1 : i32
    %dma_start3A_284 = arith.constant 0 : i32
    %dma_start3A_285 = arith.constant 0 : i32
    %dma_start3A_286 = tpu.memref_slice %arg8[%dma_start3A_284, %dma_start3A_285] : memref<2x10000xi32, #tpu.memory_space<vmem>> -> memref<1x10000xi32, #tpu.memory_space<vmem>>
    %dma_start3A_287 = tpu.memref_squeeze %dma_start3A_286 : memref<1x10000xi32, #tpu.memory_space<vmem>> -> memref<10000xi32, #tpu.memory_space<vmem>>
    %dma_start3A_288 = tpu.memref_slice %arg4[%dma_start3A_283, %add3A_270] : memref<2x1600000xi32, #tpu.memory_space<hbm>> -> memref<1x10000xi32, #tpu.memory_space<hbm>>
    %dma_start3A_289 = tpu.memref_squeeze %dma_start3A_288 : memref<1x10000xi32, #tpu.memory_space<hbm>> -> memref<10000xi32, #tpu.memory_space<hbm>>
    %dma_start3A_290 = arith.constant 0 : i32
    %dma_start3A_291 = tpu.memref_slice %arg8[%dma_start3A_284, %dma_start3A_290] : memref<2x10000xi32, #tpu.memory_space<vmem>> -> memref<1x10000xi32, #tpu.memory_space<vmem>>
    %dma_start3A_292 = tpu.memref_squeeze %dma_start3A_291 : memref<1x10000xi32, #tpu.memory_space<vmem>> -> memref<10000xi32, #tpu.memory_space<vmem>>
    %dma_start3A_293 = tpu.memref_slice %arg4[%dma_start3A_283, %add3A_270] : memref<2x1600000xi32, #tpu.memory_space<hbm>> -> memref<1x10000xi32, #tpu.memory_space<hbm>>
    %dma_start3A_294 = tpu.memref_squeeze %dma_start3A_293 : memref<1x10000xi32, #tpu.memory_space<hbm>> -> memref<10000xi32, #tpu.memory_space<hbm>>
    tpu.enqueue_dma source(%dma_start3A_294 : memref<10000xi32, #tpu.memory_space<hbm>>) target(%dma_start3A_292 : memref<10000xi32, #tpu.memory_space<vmem>>) target_semaphore(%arg12 : memref<!tpu.dma_semaphore, #tpu.memory_space<semaphore_mem>>)
    %scan3A_295 = arith.constant 0 : i32
    %scan3A_296 = arith.constant 0 : i32
    %scan3A_297 = arith.constant 25 : i32
    %scan3A_298 = arith.addi %scan3A_296, %scan3A_297 : i32
    %scan3A_299 = arith.constant 1 : i32
    scf.for %scan3A_360 = %scan3A_296 to %scan3A_298 step %scan3A_299  : i32 {
      %ge3A = arith.constant 6 : i32
      %ge3A_361 = arith.cmpi sge, %scan3A_360, %ge3A : i32
      %convert_element_type3A_362 = arith.extui %ge3A_361 : i1 to i32
      %cond3A_363 = arith.constant 0 : i32
      %cond3A_364 = arith.cmpi ne, %convert_element_type3A_362, %cond3A_363 : i32
      scf.if %cond3A_364 {
        %dma_wait3A_385 = arith.constant 0 : i32
        %dma_wait3A_386 = arith.constant 0 : i32
        %dma_wait3A_387 = arith.constant 0 : i32
        %dma_wait3A_388 = tpu.memref_slice %arg9[%dma_wait3A_385, %dma_wait3A_386, %dma_wait3A_387] : memref<6x400x16xf32, #tpu.memory_space<vmem>> -> memref<1x400x16xf32, #tpu.memory_space<vmem>>
        %dma_wait3A_389 = tpu.memref_squeeze %dma_wait3A_388 : memref<1x400x16xf32, #tpu.memory_space<vmem>> -> memref<400x16xf32, #tpu.memory_space<vmem>>
        %dma_wait3A_390 = arith.constant 0 : i32
        %dma_wait3A_391 = arith.constant 0 : i32
        %dma_wait3A_392 = tpu.memref_slice %arg2[%dma_wait3A_390, %dma_wait3A_391] : memref<50048x16xf32, #tpu.memory_space<hbm>> -> memref<400x16xf32, #tpu.memory_space<hbm>>
        %dma_wait3A_393 = arith.constant 0 : i32
        %dma_wait3A_394 = arith.constant 0 : i32
        %dma_wait3A_395 = tpu.memref_slice %arg9[%dma_wait3A_385, %dma_wait3A_393, %dma_wait3A_394] : memref<6x400x16xf32, #tpu.memory_space<vmem>> -> memref<1x400x16xf32, #tpu.memory_space<vmem>>
        %dma_wait3A_396 = tpu.memref_squeeze %dma_wait3A_395 : memref<1x400x16xf32, #tpu.memory_space<vmem>> -> memref<400x16xf32, #tpu.memory_space<vmem>>
        %dma_wait3A_397 = arith.constant 0 : i32
        %dma_wait3A_398 = arith.constant 0 : i32
        %dma_wait3A_399 = tpu.memref_slice %arg2[%dma_wait3A_397, %dma_wait3A_398] : memref<50048x16xf32, #tpu.memory_space<hbm>> -> memref<400x16xf32, #tpu.memory_space<hbm>>
        tpu.wait_dma2 semaphore(%arg11 : memref<!tpu.dma_semaphore, #tpu.memory_space<semaphore_mem>>) src(%dma_wait3A_399 : memref<400x16xf32, #tpu.memory_space<hbm>>) dst(%dma_wait3A_396 : memref<400x16xf32, #tpu.memory_space<vmem>>)
      } else {
      }
      %mul3A_365 = arith.constant 400 : i32
      %mul3A_366 = arith.muli %scan3A_360, %mul3A_365 : i32
      %rem3A = arith.constant 6 : i32
      %rem3A_367 = arith.remsi %scan3A_360, %rem3A : i32
      %dma_start3A_368 = arith.constant 1 : i32
      %dma_start3A_369 = arith.constant 0 : i32
      %dma_start3A_370 = arith.constant 0 : i32
      %dma_start3A_371 = tpu.memref_slice %arg9[%rem3A_367, %dma_start3A_369, %dma_start3A_370] : memref<6x400x16xf32, #tpu.memory_space<vmem>> -> memref<1x400x16xf32, #tpu.memory_space<vmem>>
      %dma_start3A_372 = tpu.memref_squeeze %dma_start3A_371 : memref<1x400x16xf32, #tpu.memory_space<vmem>> -> memref<400x16xf32, #tpu.memory_space<vmem>>
      %dma_start3A_373 = arith.constant 0 : i32
      %dma_start3A_374 = tpu.memref_slice %arg7[%dma_start3A_368, %dma_start3A_373] : memref<2x10000xi32, #tpu.memory_space<vmem>> -> memref<1x10000xi32, #tpu.memory_space<vmem>>
      %dma_start3A_375 = tpu.memref_squeeze %dma_start3A_374 : memref<1x10000xi32, #tpu.memory_space<vmem>> -> memref<10000xi32, #tpu.memory_space<vmem>>
      %dma_start3A_376 = tpu.memref_slice %dma_start3A_375[%mul3A_366] : memref<10000xi32, #tpu.memory_space<vmem>> -> memref<400xi32, #tpu.memory_space<vmem>>
      %dma_start3A_377 = arith.constant 0 : i32
      %dma_start3A_378 = arith.constant 0 : i32
      %dma_start3A_379 = tpu.memref_slice %arg2[%dma_start3A_377, %dma_start3A_378] : memref<50048x16xf32, #tpu.memory_space<hbm>> -> memref<50048x16xf32, #tpu.memory_space<hbm>>
      tpu.enqueue_indirect_dma source(%dma_start3A_379 : memref<50048x16xf32, #tpu.memory_space<hbm>>) target(%dma_start3A_372 : memref<400x16xf32, #tpu.memory_space<vmem>>) offsets(%dma_start3A_376 : memref<400xi32, #tpu.memory_space<vmem>>) semaphore(%arg10 : memref<!tpu.dma_semaphore, #tpu.memory_space<semaphore_mem>>)
      %ge3A_380 = arith.constant 3 : i32
      %ge3A_381 = arith.cmpi sge, %scan3A_360, %ge3A_380 : i32
      %convert_element_type3A_382 = arith.extui %ge3A_381 : i1 to i32
      %cond3A_383 = arith.constant 0 : i32
      %cond3A_384 = arith.cmpi ne, %convert_element_type3A_382, %cond3A_383 : i32
      scf.if %cond3A_384 {
        %sub3A = arith.constant 3 : i32
        %sub3A_385 = arith.subi %scan3A_360, %sub3A : i32
        %dma_wait3A_386 = arith.constant 0 : i32
        %dma_wait3A_387 = arith.constant 0 : i32
        %dma_wait3A_388 = arith.constant 0 : i32
        %dma_wait3A_389 = tpu.memref_slice %arg9[%dma_wait3A_386, %dma_wait3A_387, %dma_wait3A_388] : memref<6x400x16xf32, #tpu.memory_space<vmem>> -> memref<1x400x16xf32, #tpu.memory_space<vmem>>
        %dma_wait3A_390 = tpu.memref_squeeze %dma_wait3A_389 : memref<1x400x16xf32, #tpu.memory_space<vmem>> -> memref<400x16xf32, #tpu.memory_space<vmem>>
        %dma_wait3A_391 = arith.constant 0 : i32
        %dma_wait3A_392 = arith.constant 0 : i32
        %dma_wait3A_393 = tpu.memref_slice %arg2[%dma_wait3A_391, %dma_wait3A_392] : memref<50048x16xf32, #tpu.memory_space<hbm>> -> memref<400x16xf32, #tpu.memory_space<hbm>>
        %dma_wait3A_394 = arith.constant 0 : i32
        %dma_wait3A_395 = arith.constant 0 : i32
        %dma_wait3A_396 = tpu.memref_slice %arg9[%dma_wait3A_386, %dma_wait3A_394, %dma_wait3A_395] : memref<6x400x16xf32, #tpu.memory_space<vmem>> -> memref<1x400x16xf32, #tpu.memory_space<vmem>>
        %dma_wait3A_397 = tpu.memref_squeeze %dma_wait3A_396 : memref<1x400x16xf32, #tpu.memory_space<vmem>> -> memref<400x16xf32, #tpu.memory_space<vmem>>
        %dma_wait3A_398 = arith.constant 0 : i32
        %dma_wait3A_399 = arith.constant 0 : i32
        %dma_wait3A_400 = tpu.memref_slice %arg2[%dma_wait3A_398, %dma_wait3A_399] : memref<50048x16xf32, #tpu.memory_space<hbm>> -> memref<400x16xf32, #tpu.memory_space<hbm>>
        tpu.wait_dma2 semaphore(%arg10 : memref<!tpu.dma_semaphore, #tpu.memory_space<semaphore_mem>>) src(%dma_wait3A_400 : memref<400x16xf32, #tpu.memory_space<hbm>>) dst(%dma_wait3A_397 : memref<400x16xf32, #tpu.memory_space<vmem>>)
        %rem3A_401 = arith.constant 6 : i32
        %rem3A_402 = arith.remsi %sub3A_385, %rem3A_401 : i32
        %mul3A_403 = arith.constant 400 : i32
        %mul3A_404 = arith.muli %sub3A_385, %mul3A_403 : i32
        %dma_start3A_405 = arith.constant 1 : i32
        %dma_start3A_406 = arith.constant 0 : i32
        %dma_start3A_407 = arith.constant 0 : i32
        %dma_start3A_408 = tpu.memref_slice %arg9[%rem3A_402, %dma_start3A_406, %dma_start3A_407] : memref<6x400x16xf32, #tpu.memory_space<vmem>> -> memref<1x400x16xf32, #tpu.memory_space<vmem>>
        %dma_start3A_409 = tpu.memref_squeeze %dma_start3A_408 : memref<1x400x16xf32, #tpu.memory_space<vmem>> -> memref<400x16xf32, #tpu.memory_space<vmem>>
        %dma_start3A_410 = arith.constant 0 : i32
        %dma_start3A_411 = tpu.memref_slice %arg8[%dma_start3A_405, %dma_start3A_410] : memref<2x10000xi32, #tpu.memory_space<vmem>> -> memref<1x10000xi32, #tpu.memory_space<vmem>>
        %dma_start3A_412 = tpu.memref_squeeze %dma_start3A_411 : memref<1x10000xi32, #tpu.memory_space<vmem>> -> memref<10000xi32, #tpu.memory_space<vmem>>
        %dma_start3A_413 = tpu.memref_slice %dma_start3A_412[%mul3A_404] : memref<10000xi32, #tpu.memory_space<vmem>> -> memref<400xi32, #tpu.memory_space<vmem>>
        %dma_start3A_414 = arith.constant 0 : i32
        %dma_start3A_415 = arith.constant 0 : i32
        %dma_start3A_416 = tpu.memref_slice %arg6[%dma_start3A_414, %dma_start3A_415] : memref<50048x16xf32, #tpu.memory_space<vmem_shared>> -> memref<50048x16xf32, #tpu.memory_space<vmem_shared>>
        tpu.enqueue_indirect_dma source(%dma_start3A_409 : memref<400x16xf32, #tpu.memory_space<vmem>>) target(%dma_start3A_416 : memref<50048x16xf32, #tpu.memory_space<vmem_shared>>) offsets(%dma_start3A_413 : memref<400xi32, #tpu.memory_space<vmem>>) semaphore(%arg11 : memref<!tpu.dma_semaphore, #tpu.memory_space<semaphore_mem>>) {add = true}
      } else {
      }
    }
    %scan3A_300 = arith.constant 25 : i32
    %scan3A_301 = arith.constant 0 : i32
    %scan3A_302 = arith.constant 22 : i32
    %scan3A_303 = arith.constant 3 : i32
    %scan3A_304 = arith.addi %scan3A_302, %scan3A_303 : i32
    %scan3A_305 = arith.constant 1 : i32
    scf.for %scan3A_360 = %scan3A_302 to %scan3A_304 step %scan3A_305  : i32 {
      %dma_wait3A_361 = arith.constant 0 : i32
      %dma_wait3A_362 = arith.constant 0 : i32
      %dma_wait3A_363 = arith.constant 0 : i32
      %dma_wait3A_364 = tpu.memref_slice %arg9[%dma_wait3A_361, %dma_wait3A_362, %dma_wait3A_363] : memref<6x400x16xf32, #tpu.memory_space<vmem>> -> memref<1x400x16xf32, #tpu.memory_space<vmem>>
      %dma_wait3A_365 = tpu.memref_squeeze %dma_wait3A_364 : memref<1x400x16xf32, #tpu.memory_space<vmem>> -> memref<400x16xf32, #tpu.memory_space<vmem>>
      %dma_wait3A_366 = arith.constant 0 : i32
      %dma_wait3A_367 = arith.constant 0 : i32
      %dma_wait3A_368 = tpu.memref_slice %arg2[%dma_wait3A_366, %dma_wait3A_367] : memref<50048x16xf32, #tpu.memory_space<hbm>> -> memref<400x16xf32, #tpu.memory_space<hbm>>
      %dma_wait3A_369 = arith.constant 0 : i32
      %dma_wait3A_370 = arith.constant 0 : i32
      %dma_wait3A_371 = tpu.memref_slice %arg9[%dma_wait3A_361, %dma_wait3A_369, %dma_wait3A_370] : memref<6x400x16xf32, #tpu.memory_space<vmem>> -> memref<1x400x16xf32, #tpu.memory_space<vmem>>
      %dma_wait3A_372 = tpu.memref_squeeze %dma_wait3A_371 : memref<1x400x16xf32, #tpu.memory_space<vmem>> -> memref<400x16xf32, #tpu.memory_space<vmem>>
      %dma_wait3A_373 = arith.constant 0 : i32
      %dma_wait3A_374 = arith.constant 0 : i32
      %dma_wait3A_375 = tpu.memref_slice %arg2[%dma_wait3A_373, %dma_wait3A_374] : memref<50048x16xf32, #tpu.memory_space<hbm>> -> memref<400x16xf32, #tpu.memory_space<hbm>>
      tpu.wait_dma2 semaphore(%arg10 : memref<!tpu.dma_semaphore, #tpu.memory_space<semaphore_mem>>) src(%dma_wait3A_375 : memref<400x16xf32, #tpu.memory_space<hbm>>) dst(%dma_wait3A_372 : memref<400x16xf32, #tpu.memory_space<vmem>>)
      %rem3A = arith.constant 6 : i32
      %rem3A_376 = arith.remsi %scan3A_360, %rem3A : i32
      %mul3A_377 = arith.constant 400 : i32
      %mul3A_378 = arith.muli %scan3A_360, %mul3A_377 : i32
      %dma_start3A_379 = arith.constant 1 : i32
      %dma_start3A_380 = arith.constant 0 : i32
      %dma_start3A_381 = arith.constant 0 : i32
      %dma_start3A_382 = tpu.memref_slice %arg9[%rem3A_376, %dma_start3A_380, %dma_start3A_381] : memref<6x400x16xf32, #tpu.memory_space<vmem>> -> memref<1x400x16xf32, #tpu.memory_space<vmem>>
      %dma_start3A_383 = tpu.memref_squeeze %dma_start3A_382 : memref<1x400x16xf32, #tpu.memory_space<vmem>> -> memref<400x16xf32, #tpu.memory_space<vmem>>
      %dma_start3A_384 = arith.constant 0 : i32
      %dma_start3A_385 = tpu.memref_slice %arg8[%dma_start3A_379, %dma_start3A_384] : memref<2x10000xi32, #tpu.memory_space<vmem>> -> memref<1x10000xi32, #tpu.memory_space<vmem>>
      %dma_start3A_386 = tpu.memref_squeeze %dma_start3A_385 : memref<1x10000xi32, #tpu.memory_space<vmem>> -> memref<10000xi32, #tpu.memory_space<vmem>>
      %dma_start3A_387 = tpu.memref_slice %dma_start3A_386[%mul3A_378] : memref<10000xi32, #tpu.memory_space<vmem>> -> memref<400xi32, #tpu.memory_space<vmem>>
      %dma_start3A_388 = arith.constant 0 : i32
      %dma_start3A_389 = arith.constant 0 : i32
      %dma_start3A_390 = tpu.memref_slice %arg6[%dma_start3A_388, %dma_start3A_389] : memref<50048x16xf32, #tpu.memory_space<vmem_shared>> -> memref<50048x16xf32, #tpu.memory_space<vmem_shared>>
      tpu.enqueue_indirect_dma source(%dma_start3A_383 : memref<400x16xf32, #tpu.memory_space<vmem>>) target(%dma_start3A_390 : memref<50048x16xf32, #tpu.memory_space<vmem_shared>>) offsets(%dma_start3A_387 : memref<400xi32, #tpu.memory_space<vmem>>) semaphore(%arg11 : memref<!tpu.dma_semaphore, #tpu.memory_space<semaphore_mem>>) {add = true}
    }
    %scan3A_306 = arith.constant 3 : i32
    %scan3A_307 = arith.constant 0 : i32
    %scan3A_308 = arith.constant 0 : i32
    %scan3A_309 = arith.constant 6 : i32
    %scan3A_310 = arith.addi %scan3A_308, %scan3A_309 : i32
    %scan3A_311 = arith.constant 1 : i32
    scf.for %scan3A_360 = %scan3A_308 to %scan3A_310 step %scan3A_311  : i32 {
      %dma_wait3A_361 = arith.constant 0 : i32
      %dma_wait3A_362 = arith.constant 0 : i32
      %dma_wait3A_363 = arith.constant 0 : i32
      %dma_wait3A_364 = tpu.memref_slice %arg9[%dma_wait3A_361, %dma_wait3A_362, %dma_wait3A_363] : memref<6x400x16xf32, #tpu.memory_space<vmem>> -> memref<1x400x16xf32, #tpu.memory_space<vmem>>
      %dma_wait3A_365 = tpu.memref_squeeze %dma_wait3A_364 : memref<1x400x16xf32, #tpu.memory_space<vmem>> -> memref<400x16xf32, #tpu.memory_space<vmem>>
      %dma_wait3A_366 = arith.constant 0 : i32
      %dma_wait3A_367 = arith.constant 0 : i32
      %dma_wait3A_368 = tpu.memref_slice %arg2[%dma_wait3A_366, %dma_wait3A_367] : memref<50048x16xf32, #tpu.memory_space<hbm>> -> memref<400x16xf32, #tpu.memory_space<hbm>>
      %dma_wait3A_369 = arith.constant 0 : i32
      %dma_wait3A_370 = arith.constant 0 : i32
      %dma_wait3A_371 = tpu.memref_slice %arg9[%dma_wait3A_361, %dma_wait3A_369, %dma_wait3A_370] : memref<6x400x16xf32, #tpu.memory_space<vmem>> -> memref<1x400x16xf32, #tpu.memory_space<vmem>>
      %dma_wait3A_372 = tpu.memref_squeeze %dma_wait3A_371 : memref<1x400x16xf32, #tpu.memory_space<vmem>> -> memref<400x16xf32, #tpu.memory_space<vmem>>
      %dma_wait3A_373 = arith.constant 0 : i32
      %dma_wait3A_374 = arith.constant 0 : i32
      %dma_wait3A_375 = tpu.memref_slice %arg2[%dma_wait3A_373, %dma_wait3A_374] : memref<50048x16xf32, #tpu.memory_space<hbm>> -> memref<400x16xf32, #tpu.memory_space<hbm>>
      tpu.wait_dma2 semaphore(%arg11 : memref<!tpu.dma_semaphore, #tpu.memory_space<semaphore_mem>>) src(%dma_wait3A_375 : memref<400x16xf32, #tpu.memory_space<hbm>>) dst(%dma_wait3A_372 : memref<400x16xf32, #tpu.memory_space<vmem>>)
    }
    %scan3A_312 = arith.constant 6 : i32
    %dma_wait3A_313 = arith.constant 0 : i32
    %dma_wait3A_314 = arith.constant 0 : i32
    %dma_wait3A_315 = arith.constant 0 : i32
    %dma_wait3A_316 = tpu.memref_slice %arg7[%dma_wait3A_314, %dma_wait3A_315] : memref<2x10000xi32, #tpu.memory_space<vmem>> -> memref<1x10000xi32, #tpu.memory_space<vmem>>
    %dma_wait3A_317 = tpu.memref_squeeze %dma_wait3A_316 : memref<1x10000xi32, #tpu.memory_space<vmem>> -> memref<10000xi32, #tpu.memory_space<vmem>>
    %dma_wait3A_318 = tpu.memref_slice %arg4[%dma_wait3A_313, %add3A_270] : memref<2x1600000xi32, #tpu.memory_space<hbm>> -> memref<1x10000xi32, #tpu.memory_space<hbm>>
    %dma_wait3A_319 = tpu.memref_squeeze %dma_wait3A_318 : memref<1x10000xi32, #tpu.memory_space<hbm>> -> memref<10000xi32, #tpu.memory_space<hbm>>
    %dma_wait3A_320 = arith.constant 0 : i32
    %dma_wait3A_321 = tpu.memref_slice %arg7[%dma_wait3A_314, %dma_wait3A_320] : memref<2x10000xi32, #tpu.memory_space<vmem>> -> memref<1x10000xi32, #tpu.memory_space<vmem>>
    %dma_wait3A_322 = tpu.memref_squeeze %dma_wait3A_321 : memref<1x10000xi32, #tpu.memory_space<vmem>> -> memref<10000xi32, #tpu.memory_space<vmem>>
    %dma_wait3A_323 = tpu.memref_slice %arg4[%dma_wait3A_313, %add3A_270] : memref<2x1600000xi32, #tpu.memory_space<hbm>> -> memref<1x10000xi32, #tpu.memory_space<hbm>>
    %dma_wait3A_324 = tpu.memref_squeeze %dma_wait3A_323 : memref<1x10000xi32, #tpu.memory_space<hbm>> -> memref<10000xi32, #tpu.memory_space<hbm>>
    tpu.wait_dma2 semaphore(%arg12 : memref<!tpu.dma_semaphore, #tpu.memory_space<semaphore_mem>>) src(%dma_wait3A_324 : memref<10000xi32, #tpu.memory_space<hbm>>) dst(%dma_wait3A_322 : memref<10000xi32, #tpu.memory_space<vmem>>)
    %dma_wait3A_325 = arith.constant 1 : i32
    %dma_wait3A_326 = arith.constant 0 : i32
    %dma_wait3A_327 = arith.constant 0 : i32
    %dma_wait3A_328 = tpu.memref_slice %arg8[%dma_wait3A_326, %dma_wait3A_327] : memref<2x10000xi32, #tpu.memory_space<vmem>> -> memref<1x10000xi32, #tpu.memory_space<vmem>>
    %dma_wait3A_329 = tpu.memref_squeeze %dma_wait3A_328 : memref<1x10000xi32, #tpu.memory_space<vmem>> -> memref<10000xi32, #tpu.memory_space<vmem>>
    %dma_wait3A_330 = tpu.memref_slice %arg4[%dma_wait3A_325, %add3A_270] : memref<2x1600000xi32, #tpu.memory_space<hbm>> -> memref<1x10000xi32, #tpu.memory_space<hbm>>
    %dma_wait3A_331 = tpu.memref_squeeze %dma_wait3A_330 : memref<1x10000xi32, #tpu.memory_space<hbm>> -> memref<10000xi32, #tpu.memory_space<hbm>>
    %dma_wait3A_332 = arith.constant 0 : i32
    %dma_wait3A_333 = tpu.memref_slice %arg8[%dma_wait3A_326, %dma_wait3A_332] : memref<2x10000xi32, #tpu.memory_space<vmem>> -> memref<1x10000xi32, #tpu.memory_space<vmem>>
    %dma_wait3A_334 = tpu.memref_squeeze %dma_wait3A_333 : memref<1x10000xi32, #tpu.memory_space<vmem>> -> memref<10000xi32, #tpu.memory_space<vmem>>
    %dma_wait3A_335 = tpu.memref_slice %arg4[%dma_wait3A_325, %add3A_270] : memref<2x1600000xi32, #tpu.memory_space<hbm>> -> memref<1x10000xi32, #tpu.memory_space<hbm>>
    %dma_wait3A_336 = tpu.memref_squeeze %dma_wait3A_335 : memref<1x10000xi32, #tpu.memory_space<hbm>> -> memref<10000xi32, #tpu.memory_space<hbm>>
    tpu.wait_dma2 semaphore(%arg12 : memref<!tpu.dma_semaphore, #tpu.memory_space<semaphore_mem>>) src(%dma_wait3A_336 : memref<10000xi32, #tpu.memory_space<hbm>>) dst(%dma_wait3A_334 : memref<10000xi32, #tpu.memory_space<vmem>>)
    %scan3A_337 = arith.constant 0 : i32
    %scan3A_338 = arith.constant 0 : i32
    %scan3A_339 = arith.constant 25 : i32
    %scan3A_340 = arith.addi %scan3A_338, %scan3A_339 : i32
    %scan3A_341 = arith.constant 1 : i32
    scf.for %scan3A_360 = %scan3A_338 to %scan3A_340 step %scan3A_341  : i32 {
      %ge3A = arith.constant 6 : i32
      %ge3A_361 = arith.cmpi sge, %scan3A_360, %ge3A : i32
      %convert_element_type3A_362 = arith.extui %ge3A_361 : i1 to i32
      %cond3A_363 = arith.constant 0 : i32
      %cond3A_364 = arith.cmpi ne, %convert_element_type3A_362, %cond3A_363 : i32
      scf.if %cond3A_364 {
        %dma_wait3A_385 = arith.constant 0 : i32
        %dma_wait3A_386 = arith.constant 0 : i32
        %dma_wait3A_387 = arith.constant 0 : i32
        %dma_wait3A_388 = tpu.memref_slice %arg9[%dma_wait3A_385, %dma_wait3A_386, %dma_wait3A_387] : memref<6x400x16xf32, #tpu.memory_space<vmem>> -> memref<1x400x16xf32, #tpu.memory_space<vmem>>
        %dma_wait3A_389 = tpu.memref_squeeze %dma_wait3A_388 : memref<1x400x16xf32, #tpu.memory_space<vmem>> -> memref<400x16xf32, #tpu.memory_space<vmem>>
        %dma_wait3A_390 = arith.constant 0 : i32
        %dma_wait3A_391 = arith.constant 0 : i32
        %dma_wait3A_392 = tpu.memref_slice %arg2[%dma_wait3A_390, %dma_wait3A_391] : memref<50048x16xf32, #tpu.memory_space<hbm>> -> memref<400x16xf32, #tpu.memory_space<hbm>>
        %dma_wait3A_393 = arith.constant 0 : i32
        %dma_wait3A_394 = arith.constant 0 : i32
        %dma_wait3A_395 = tpu.memref_slice %arg9[%dma_wait3A_385, %dma_wait3A_393, %dma_wait3A_394] : memref<6x400x16xf32, #tpu.memory_space<vmem>> -> memref<1x400x16xf32, #tpu.memory_space<vmem>>
        %dma_wait3A_396 = tpu.memref_squeeze %dma_wait3A_395 : memref<1x400x16xf32, #tpu.memory_space<vmem>> -> memref<400x16xf32, #tpu.memory_space<vmem>>
        %dma_wait3A_397 = arith.constant 0 : i32
        %dma_wait3A_398 = arith.constant 0 : i32
        %dma_wait3A_399 = tpu.memref_slice %arg2[%dma_wait3A_397, %dma_wait3A_398] : memref<50048x16xf32, #tpu.memory_space<hbm>> -> memref<400x16xf32, #tpu.memory_space<hbm>>
        tpu.wait_dma2 semaphore(%arg11 : memref<!tpu.dma_semaphore, #tpu.memory_space<semaphore_mem>>) src(%dma_wait3A_399 : memref<400x16xf32, #tpu.memory_space<hbm>>) dst(%dma_wait3A_396 : memref<400x16xf32, #tpu.memory_space<vmem>>)
      } else {
      }
      %mul3A_365 = arith.constant 400 : i32
      %mul3A_366 = arith.muli %scan3A_360, %mul3A_365 : i32
      %rem3A = arith.constant 6 : i32
      %rem3A_367 = arith.remsi %scan3A_360, %rem3A : i32
      %dma_start3A_368 = arith.constant 0 : i32
      %dma_start3A_369 = arith.constant 0 : i32
      %dma_start3A_370 = arith.constant 0 : i32
      %dma_start3A_371 = tpu.memref_slice %arg9[%rem3A_367, %dma_start3A_369, %dma_start3A_370] : memref<6x400x16xf32, #tpu.memory_space<vmem>> -> memref<1x400x16xf32, #tpu.memory_space<vmem>>
      %dma_start3A_372 = tpu.memref_squeeze %dma_start3A_371 : memref<1x400x16xf32, #tpu.memory_space<vmem>> -> memref<400x16xf32, #tpu.memory_space<vmem>>
      %dma_start3A_373 = arith.constant 0 : i32
      %dma_start3A_374 = tpu.memref_slice %arg7[%dma_start3A_368, %dma_start3A_373] : memref<2x10000xi32, #tpu.memory_space<vmem>> -> memref<1x10000xi32, #tpu.memory_space<vmem>>
      %dma_start3A_375 = tpu.memref_squeeze %dma_start3A_374 : memref<1x10000xi32, #tpu.memory_space<vmem>> -> memref<10000xi32, #tpu.memory_space<vmem>>
      %dma_start3A_376 = tpu.memref_slice %dma_start3A_375[%mul3A_366] : memref<10000xi32, #tpu.memory_space<vmem>> -> memref<400xi32, #tpu.memory_space<vmem>>
      %dma_start3A_377 = arith.constant 0 : i32
      %dma_start3A_378 = arith.constant 0 : i32
      %dma_start3A_379 = tpu.memref_slice %arg2[%dma_start3A_377, %dma_start3A_378] : memref<50048x16xf32, #tpu.memory_space<hbm>> -> memref<50048x16xf32, #tpu.memory_space<hbm>>
      tpu.enqueue_indirect_dma source(%dma_start3A_379 : memref<50048x16xf32, #tpu.memory_space<hbm>>) target(%dma_start3A_372 : memref<400x16xf32, #tpu.memory_space<vmem>>) offsets(%dma_start3A_376 : memref<400xi32, #tpu.memory_space<vmem>>) semaphore(%arg10 : memref<!tpu.dma_semaphore, #tpu.memory_space<semaphore_mem>>)
      %ge3A_380 = arith.constant 3 : i32
      %ge3A_381 = arith.cmpi sge, %scan3A_360, %ge3A_380 : i32
      %convert_element_type3A_382 = arith.extui %ge3A_381 : i1 to i32
      %cond3A_383 = arith.constant 0 : i32
      %cond3A_384 = arith.cmpi ne, %convert_element_type3A_382, %cond3A_383 : i32
      scf.if %cond3A_384 {
        %sub3A = arith.constant 3 : i32
        %sub3A_385 = arith.subi %scan3A_360, %sub3A : i32
        %dma_wait3A_386 = arith.constant 0 : i32
        %dma_wait3A_387 = arith.constant 0 : i32
        %dma_wait3A_388 = arith.constant 0 : i32
        %dma_wait3A_389 = tpu.memref_slice %arg9[%dma_wait3A_386, %dma_wait3A_387, %dma_wait3A_388] : memref<6x400x16xf32, #tpu.memory_space<vmem>> -> memref<1x400x16xf32, #tpu.memory_space<vmem>>
        %dma_wait3A_390 = tpu.memref_squeeze %dma_wait3A_389 : memref<1x400x16xf32, #tpu.memory_space<vmem>> -> memref<400x16xf32, #tpu.memory_space<vmem>>
        %dma_wait3A_391 = arith.constant 0 : i32
        %dma_wait3A_392 = arith.constant 0 : i32
        %dma_wait3A_393 = tpu.memref_slice %arg2[%dma_wait3A_391, %dma_wait3A_392] : memref<50048x16xf32, #tpu.memory_space<hbm>> -> memref<400x16xf32, #tpu.memory_space<hbm>>
        %dma_wait3A_394 = arith.constant 0 : i32
        %dma_wait3A_395 = arith.constant 0 : i32
        %dma_wait3A_396 = tpu.memref_slice %arg9[%dma_wait3A_386, %dma_wait3A_394, %dma_wait3A_395] : memref<6x400x16xf32, #tpu.memory_space<vmem>> -> memref<1x400x16xf32, #tpu.memory_space<vmem>>
        %dma_wait3A_397 = tpu.memref_squeeze %dma_wait3A_396 : memref<1x400x16xf32, #tpu.memory_space<vmem>> -> memref<400x16xf32, #tpu.memory_space<vmem>>
        %dma_wait3A_398 = arith.constant 0 : i32
        %dma_wait3A_399 = arith.constant 0 : i32
        %dma_wait3A_400 = tpu.memref_slice %arg2[%dma_wait3A_398, %dma_wait3A_399] : memref<50048x16xf32, #tpu.memory_space<hbm>> -> memref<400x16xf32, #tpu.memory_space<hbm>>
        tpu.wait_dma2 semaphore(%arg10 : memref<!tpu.dma_semaphore, #tpu.memory_space<semaphore_mem>>) src(%dma_wait3A_400 : memref<400x16xf32, #tpu.memory_space<hbm>>) dst(%dma_wait3A_397 : memref<400x16xf32, #tpu.memory_space<vmem>>)
        %rem3A_401 = arith.constant 6 : i32
        %rem3A_402 = arith.remsi %sub3A_385, %rem3A_401 : i32
        %mul3A_403 = arith.constant 400 : i32
        %mul3A_404 = arith.muli %sub3A_385, %mul3A_403 : i32
        %dma_start3A_405 = arith.constant 0 : i32
        %dma_start3A_406 = arith.constant 0 : i32
        %dma_start3A_407 = arith.constant 0 : i32
        %dma_start3A_408 = tpu.memref_slice %arg9[%rem3A_402, %dma_start3A_406, %dma_start3A_407] : memref<6x400x16xf32, #tpu.memory_space<vmem>> -> memref<1x400x16xf32, #tpu.memory_space<vmem>>
        %dma_start3A_409 = tpu.memref_squeeze %dma_start3A_408 : memref<1x400x16xf32, #tpu.memory_space<vmem>> -> memref<400x16xf32, #tpu.memory_space<vmem>>
        %dma_start3A_410 = arith.constant 0 : i32
        %dma_start3A_411 = tpu.memref_slice %arg8[%dma_start3A_405, %dma_start3A_410] : memref<2x10000xi32, #tpu.memory_space<vmem>> -> memref<1x10000xi32, #tpu.memory_space<vmem>>
        %dma_start3A_412 = tpu.memref_squeeze %dma_start3A_411 : memref<1x10000xi32, #tpu.memory_space<vmem>> -> memref<10000xi32, #tpu.memory_space<vmem>>
        %dma_start3A_413 = tpu.memref_slice %dma_start3A_412[%mul3A_404] : memref<10000xi32, #tpu.memory_space<vmem>> -> memref<400xi32, #tpu.memory_space<vmem>>
        %dma_start3A_414 = arith.constant 0 : i32
        %dma_start3A_415 = arith.constant 0 : i32
        %dma_start3A_416 = tpu.memref_slice %arg6[%dma_start3A_414, %dma_start3A_415] : memref<50048x16xf32, #tpu.memory_space<vmem_shared>> -> memref<50048x16xf32, #tpu.memory_space<vmem_shared>>
        tpu.enqueue_indirect_dma source(%dma_start3A_409 : memref<400x16xf32, #tpu.memory_space<vmem>>) target(%dma_start3A_416 : memref<50048x16xf32, #tpu.memory_space<vmem_shared>>) offsets(%dma_start3A_413 : memref<400xi32, #tpu.memory_space<vmem>>) semaphore(%arg11 : memref<!tpu.dma_semaphore, #tpu.memory_space<semaphore_mem>>) {add = true}
      } else {
      }
    }
    %scan3A_342 = arith.constant 25 : i32
    %scan3A_343 = arith.constant 0 : i32
    %scan3A_344 = arith.constant 22 : i32
    %scan3A_345 = arith.constant 3 : i32
    %scan3A_346 = arith.addi %scan3A_344, %scan3A_345 : i32
    %scan3A_347 = arith.constant 1 : i32
    scf.for %scan3A_360 = %scan3A_344 to %scan3A_346 step %scan3A_347  : i32 {
      %dma_wait3A_361 = arith.constant 0 : i32
      %dma_wait3A_362 = arith.constant 0 : i32
      %dma_wait3A_363 = arith.constant 0 : i32
      %dma_wait3A_364 = tpu.memref_slice %arg9[%dma_wait3A_361, %dma_wait3A_362, %dma_wait3A_363] : memref<6x400x16xf32, #tpu.memory_space<vmem>> -> memref<1x400x16xf32, #tpu.memory_space<vmem>>
      %dma_wait3A_365 = tpu.memref_squeeze %dma_wait3A_364 : memref<1x400x16xf32, #tpu.memory_space<vmem>> -> memref<400x16xf32, #tpu.memory_space<vmem>>
      %dma_wait3A_366 = arith.constant 0 : i32
      %dma_wait3A_367 = arith.constant 0 : i32
      %dma_wait3A_368 = tpu.memref_slice %arg2[%dma_wait3A_366, %dma_wait3A_367] : memref<50048x16xf32, #tpu.memory_space<hbm>> -> memref<400x16xf32, #tpu.memory_space<hbm>>
      %dma_wait3A_369 = arith.constant 0 : i32
      %dma_wait3A_370 = arith.constant 0 : i32
      %dma_wait3A_371 = tpu.memref_slice %arg9[%dma_wait3A_361, %dma_wait3A_369, %dma_wait3A_370] : memref<6x400x16xf32, #tpu.memory_space<vmem>> -> memref<1x400x16xf32, #tpu.memory_space<vmem>>
      %dma_wait3A_372 = tpu.memref_squeeze %dma_wait3A_371 : memref<1x400x16xf32, #tpu.memory_space<vmem>> -> memref<400x16xf32, #tpu.memory_space<vmem>>
      %dma_wait3A_373 = arith.constant 0 : i32
      %dma_wait3A_374 = arith.constant 0 : i32
      %dma_wait3A_375 = tpu.memref_slice %arg2[%dma_wait3A_373, %dma_wait3A_374] : memref<50048x16xf32, #tpu.memory_space<hbm>> -> memref<400x16xf32, #tpu.memory_space<hbm>>
      tpu.wait_dma2 semaphore(%arg10 : memref<!tpu.dma_semaphore, #tpu.memory_space<semaphore_mem>>) src(%dma_wait3A_375 : memref<400x16xf32, #tpu.memory_space<hbm>>) dst(%dma_wait3A_372 : memref<400x16xf32, #tpu.memory_space<vmem>>)
      %rem3A = arith.constant 6 : i32
      %rem3A_376 = arith.remsi %scan3A_360, %rem3A : i32
      %mul3A_377 = arith.constant 400 : i32
      %mul3A_378 = arith.muli %scan3A_360, %mul3A_377 : i32
      %dma_start3A_379 = arith.constant 0 : i32
      %dma_start3A_380 = arith.constant 0 : i32
      %dma_start3A_381 = arith.constant 0 : i32
      %dma_start3A_382 = tpu.memref_slice %arg9[%rem3A_376, %dma_start3A_380, %dma_start3A_381] : memref<6x400x16xf32, #tpu.memory_space<vmem>> -> memref<1x400x16xf32, #tpu.memory_space<vmem>>
      %dma_start3A_383 = tpu.memref_squeeze %dma_start3A_382 : memref<1x400x16xf32, #tpu.memory_space<vmem>> -> memref<400x16xf32, #tpu.memory_space<vmem>>
      %dma_start3A_384 = arith.constant 0 : i32
      %dma_start3A_385 = tpu.memref_slice %arg8[%dma_start3A_379, %dma_start3A_384] : memref<2x10000xi32, #tpu.memory_space<vmem>> -> memref<1x10000xi32, #tpu.memory_space<vmem>>
      %dma_start3A_386 = tpu.memref_squeeze %dma_start3A_385 : memref<1x10000xi32, #tpu.memory_space<vmem>> -> memref<10000xi32, #tpu.memory_space<vmem>>
      %dma_start3A_387 = tpu.memref_slice %dma_start3A_386[%mul3A_378] : memref<10000xi32, #tpu.memory_space<vmem>> -> memref<400xi32, #tpu.memory_space<vmem>>
      %dma_start3A_388 = arith.constant 0 : i32
      %dma_start3A_389 = arith.constant 0 : i32
      %dma_start3A_390 = tpu.memref_slice %arg6[%dma_start3A_388, %dma_start3A_389] : memref<50048x16xf32, #tpu.memory_space<vmem_shared>> -> memref<50048x16xf32, #tpu.memory_space<vmem_shared>>
      tpu.enqueue_indirect_dma source(%dma_start3A_383 : memref<400x16xf32, #tpu.memory_space<vmem>>) target(%dma_start3A_390 : memref<50048x16xf32, #tpu.memory_space<vmem_shared>>) offsets(%dma_start3A_387 : memref<400xi32, #tpu.memory_space<vmem>>) semaphore(%arg11 : memref<!tpu.dma_semaphore, #tpu.memory_space<semaphore_mem>>) {add = true}
    }
    %scan3A_348 = arith.constant 3 : i32
    %scan3A_349 = arith.constant 0 : i32
    %scan3A_350 = arith.constant 0 : i32
    %scan3A_351 = arith.constant 6 : i32
    %scan3A_352 = arith.addi %scan3A_350, %scan3A_351 : i32
    %scan3A_353 = arith.constant 1 : i32
    scf.for %scan3A_360 = %scan3A_350 to %scan3A_352 step %scan3A_353  : i32 {
      %dma_wait3A_361 = arith.constant 0 : i32
      %dma_wait3A_362 = arith.constant 0 : i32
      %dma_wait3A_363 = arith.constant 0 : i32
      %dma_wait3A_364 = tpu.memref_slice %arg9[%dma_wait3A_361, %dma_wait3A_362, %dma_wait3A_363] : memref<6x400x16xf32, #tpu.memory_space<vmem>> -> memref<1x400x16xf32, #tpu.memory_space<vmem>>
      %dma_wait3A_365 = tpu.memref_squeeze %dma_wait3A_364 : memref<1x400x16xf32, #tpu.memory_space<vmem>> -> memref<400x16xf32, #tpu.memory_space<vmem>>
      %dma_wait3A_366 = arith.constant 0 : i32
      %dma_wait3A_367 = arith.constant 0 : i32
      %dma_wait3A_368 = tpu.memref_slice %arg2[%dma_wait3A_366, %dma_wait3A_367] : memref<50048x16xf32, #tpu.memory_space<hbm>> -> memref<400x16xf32, #tpu.memory_space<hbm>>
      %dma_wait3A_369 = arith.constant 0 : i32
      %dma_wait3A_370 = arith.constant 0 : i32
      %dma_wait3A_371 = tpu.memref_slice %arg9[%dma_wait3A_361, %dma_wait3A_369, %dma_wait3A_370] : memref<6x400x16xf32, #tpu.memory_space<vmem>> -> memref<1x400x16xf32, #tpu.memory_space<vmem>>
      %dma_wait3A_372 = tpu.memref_squeeze %dma_wait3A_371 : memref<1x400x16xf32, #tpu.memory_space<vmem>> -> memref<400x16xf32, #tpu.memory_space<vmem>>
      %dma_wait3A_373 = arith.constant 0 : i32
      %dma_wait3A_374 = arith.constant 0 : i32
      %dma_wait3A_375 = tpu.memref_slice %arg2[%dma_wait3A_373, %dma_wait3A_374] : memref<50048x16xf32, #tpu.memory_space<hbm>> -> memref<400x16xf32, #tpu.memory_space<hbm>>
      tpu.wait_dma2 semaphore(%arg11 : memref<!tpu.dma_semaphore, #tpu.memory_space<semaphore_mem>>) src(%dma_wait3A_375 : memref<400x16xf32, #tpu.memory_space<hbm>>) dst(%dma_wait3A_372 : memref<400x16xf32, #tpu.memory_space<vmem>>)
    }
    %scan3A_354 = arith.constant 6 : i32
    %barrier3A_355 = arith.constant 0 : index
    tpu.barrier barrier_id(%barrier3A_355)
    %mul3A_356 = arith.constant 3128 : i32
    %mul3A_357 = arith.muli %arg1, %mul3A_356 : i32
    %mul3A_358 = arith.constant 3128 : i32
    %mul3A_359 = arith.muli %arg1, %mul3A_358 : i32
    "tpu.region"() ({
      %run_scoped3A = tpu.sem_alloc : memref<!tpu.dma_semaphore, #tpu.memory_space<semaphore_mem>>
      %dma_start3A_360 = arith.constant 0 : i32
      %dma_start3A_361 = tpu.memref_slice %arg5[%arg0, %mul3A_359, %dma_start3A_360] : memref<2x50048x16xf32, #tpu.memory_space<hbm>> -> memref<1x3128x16xf32, #tpu.memory_space<hbm>>
      %dma_start3A_362 = tpu.memref_squeeze %dma_start3A_361 : memref<1x3128x16xf32, #tpu.memory_space<hbm>> -> memref<3128x16xf32, #tpu.memory_space<hbm>>
      %dma_start3A_363 = arith.constant 0 : i32
      %dma_start3A_364 = tpu.memref_slice %arg6[%mul3A_357, %dma_start3A_363] : memref<50048x16xf32, #tpu.memory_space<vmem_shared>> -> memref<3128x16xf32, #tpu.memory_space<vmem_shared>>
      tpu.enqueue_dma source(%dma_start3A_364 : memref<3128x16xf32, #tpu.memory_space<vmem_shared>>) target(%dma_start3A_362 : memref<3128x16xf32, #tpu.memory_space<hbm>>) target_semaphore(%run_scoped3A : memref<!tpu.dma_semaphore, #tpu.memory_space<semaphore_mem>>)
      %dma_wait3A_365 = arith.constant 0 : i32
      %dma_wait3A_366 = tpu.memref_slice %arg5[%arg0, %mul3A_359, %dma_wait3A_365] : memref<2x50048x16xf32, #tpu.memory_space<hbm>> -> memref<1x3128x16xf32, #tpu.memory_space<hbm>>
      %dma_wait3A_367 = tpu.memref_squeeze %dma_wait3A_366 : memref<1x3128x16xf32, #tpu.memory_space<hbm>> -> memref<3128x16xf32, #tpu.memory_space<hbm>>
      %dma_wait3A_368 = arith.constant 0 : i32
      %dma_wait3A_369 = tpu.memref_slice %arg6[%mul3A_357, %dma_wait3A_368] : memref<50048x16xf32, #tpu.memory_space<vmem_shared>> -> memref<3128x16xf32, #tpu.memory_space<vmem_shared>>
      tpu.wait_dma2 semaphore(%run_scoped3A : memref<!tpu.dma_semaphore, #tpu.memory_space<semaphore_mem>>) src(%dma_wait3A_369 : memref<3128x16xf32, #tpu.memory_space<vmem_shared>>) dst(%dma_wait3A_367 : memref<3128x16xf32, #tpu.memory_space<hbm>>)
      tpu.yield
    }) : () -> ()
    return
  }
}

module attributes {stable_mosaic.version = 14 : i64} {
  func.func @tc_kernel(%arg0: memref<2x6256x128xf32, #tpu.memory_space<vmem>>, %arg1: memref<128x128xf32, #tpu.memory_space<vmem>>, %arg2: memref<1x128xf32, #tpu.memory_space<vmem>>, %arg3: memref<128x8xf32, #tpu.memory_space<vmem>>, %arg4: memref<128x8xf32, #tpu.memory_space<vmem>>, %arg5: memref<8x128xf32, #tpu.memory_space<vmem>>, %arg6: memref<128x8xf32, #tpu.memory_space<vmem>>, %arg7: memref<1x1xf32, #tpu.memory_space<vmem>>, %arg8: memref<6256x8xf32, #tpu.memory_space<vmem>>) attributes {dimension_semantics = [], scalar_prefetch = 0 : i64, scratch_operands = 0 : i64, tpu.core_type = #tpu.core_type<tc>} {
    %get3A = arith.constant 0 : index
    %get3A_0 = arith.constant 0 : index
    %get3A_1 = arith.constant 0 : index
    %get3A_2 = vector.load %arg0[%get3A, %get3A_0, %get3A_1] : memref<2x6256x128xf32, #tpu.memory_space<vmem>>, vector<1x6256x128xf32>
    %get3A_3 = vector.shape_cast %get3A_2 : vector<1x6256x128xf32> to vector<6256x128xf32>
    %get3A_4 = arith.constant 1 : index
    %get3A_5 = arith.constant 0 : index
    %get3A_6 = arith.constant 0 : index
    %get3A_7 = vector.load %arg0[%get3A_4, %get3A_5, %get3A_6] : memref<2x6256x128xf32, #tpu.memory_space<vmem>>, vector<1x6256x128xf32>
    %get3A_8 = vector.shape_cast %get3A_7 : vector<1x6256x128xf32> to vector<6256x128xf32>
    %add3A = arith.addf %get3A_3, %get3A_8 : vector<6256x128xf32>
    %get3A_9 = arith.constant 0 : index
    %get3A_10 = arith.constant 0 : index
    %get3A_11 = vector.load %arg4[%get3A_9, %get3A_10] : memref<128x8xf32, #tpu.memory_space<vmem>>, vector<128x8xf32>
    %dot_general3A = arith.constant dense<0.000000e+00> : vector<6256x8xf32>
    %dot_general3A_12 = tpu.matmul %add3A, %get3A_11, %dot_general3A {dimension_numbers = #tpu.dot_dimension_numbers<[1], [0], [0], [1], [0, 0, 1, 1], [], []>, transpose_lhs_hint = false} : vector<6256x128xf32>, vector<128x8xf32>, vector<6256x8xf32> -> vector<6256x8xf32>
    %get3A_13 = arith.constant 0 : index
    %get3A_14 = arith.constant 0 : index
    %get3A_15 = vector.load %arg5[%get3A_13, %get3A_14] : memref<8x128xf32, #tpu.memory_space<vmem>>, vector<8x128xf32>
    %dot_general3A_16 = arith.constant dense<0.000000e+00> : vector<6256x128xf32>
    %dot_general3A_17 = tpu.matmul %dot_general3A_12, %get3A_15, %dot_general3A_16 {dimension_numbers = #tpu.dot_dimension_numbers<[1], [0], [0], [1], [0, 0, 1, 1], [], []>, transpose_lhs_hint = false} : vector<6256x8xf32>, vector<8x128xf32>, vector<6256x128xf32> -> vector<6256x128xf32>
    %max3A = arith.constant 5.000000e-01 : f32
    %max3A_18 = vector.broadcast %max3A : f32 to vector<6256x128xf32>
    %max3A_19 = arith.maximumf %dot_general3A_17, %max3A_18 : vector<6256x128xf32>
    %get3A_20 = arith.constant 0 : index
    %get3A_21 = arith.constant 0 : index
    %get3A_22 = vector.load %arg1[%get3A_20, %get3A_21] : memref<128x128xf32, #tpu.memory_space<vmem>>, vector<128x128xf32>
    %dot_general3A_23 = arith.constant dense<0.000000e+00> : vector<6256x128xf32>
    %dot_general3A_24 = tpu.matmul %add3A, %get3A_22, %dot_general3A_23 {dimension_numbers = #tpu.dot_dimension_numbers<[1], [0], [0], [1], [0, 0, 1, 1], [], []>, transpose_lhs_hint = false} : vector<6256x128xf32>, vector<128x128xf32>, vector<6256x128xf32> -> vector<6256x128xf32>
    %div3A = arith.divf %dot_general3A_24, %max3A_19 : vector<6256x128xf32>
    %get3A_25 = arith.constant 0 : index
    %get3A_26 = arith.constant 0 : index
    %get3A_27 = vector.load %arg2[%get3A_25, %get3A_26] : memref<1x128xf32, #tpu.memory_space<vmem>>, vector<1x128xf32>
    %add3A_28 = vector.broadcast %get3A_27 : vector<1x128xf32> to vector<6256x128xf32>
    %add3A_29 = arith.addf %div3A, %add3A_28 : vector<6256x128xf32>
    %max3A_30 = arith.constant 0.000000e+00 : f32
    %max3A_31 = vector.broadcast %max3A_30 : f32 to vector<6256x128xf32>
    %max3A_32 = arith.maximumf %add3A_29, %max3A_31 : vector<6256x128xf32>
    %get3A_33 = arith.constant 0 : index
    %get3A_34 = arith.constant 0 : index
    %get3A_35 = vector.load %arg3[%get3A_33, %get3A_34] : memref<128x8xf32, #tpu.memory_space<vmem>>, vector<128x8xf32>
    %dot_general3A_36 = arith.constant dense<0.000000e+00> : vector<6256x8xf32>
    %dot_general3A_37 = tpu.matmul %max3A_32, %get3A_35, %dot_general3A_36 {dimension_numbers = #tpu.dot_dimension_numbers<[1], [0], [0], [1], [0, 0, 1, 1], [], []>, transpose_lhs_hint = false} : vector<6256x128xf32>, vector<128x8xf32>, vector<6256x8xf32> -> vector<6256x8xf32>
    %tanh3A = math.tanh %dot_general3A_37 : vector<6256x8xf32>
    %iota3A = tpu.iota {dimensions = array<i32: 0>} : vector<6256x8xi32>
    %iota3A_38 = tpu.iota {dimensions = array<i32: 1>} : vector<6256x8xi32>
    %mul3A = arith.constant 8 : i32
    %mul3A_39 = vector.broadcast %mul3A : i32 to vector<6256x8xi32>
    %mul3A_40 = arith.muli %iota3A, %mul3A_39 : vector<6256x8xi32>
    %add3A_41 = arith.addi %mul3A_40, %iota3A_38 : vector<6256x8xi32>
    %lt3A = arith.constant 50000 : i32
    %lt3A_42 = vector.broadcast %lt3A : i32 to vector<6256x8xi32>
    %lt3A_43 = arith.cmpi slt, %add3A_41, %lt3A_42 : vector<6256x8xi32>
    %jit3A = arith.constant -3.000000e+01 : f32
    %broadcast_in_dim3A = vector.broadcast %jit3A : f32 to vector<6256x8xf32>
    %select_n3A = arith.select %lt3A_43, %tanh3A, %broadcast_in_dim3A : vector<6256x8xi1>, vector<6256x8xf32>
    %reduce_max3A = vector.shape_cast %select_n3A : vector<6256x8xf32> to vector<1x6256x8xf32>
    %reduce_max3A_44 = arith.constant dense<0xFF800000> : vector<1xf32>
    %reduce_max3A_45 = vector.multi_reduction <maximumf>, %reduce_max3A, %reduce_max3A_44 [1, 2] : vector<1x6256x8xf32> to vector<1xf32>
    %reduce_max3A_46 = vector.shape_cast %reduce_max3A_45 : vector<1xf32> to vector<1x1x1xf32>
    %reduce_max3A_47 = vector.extract %reduce_max3A_46[0, 0, 0] : f32 from vector<1x1x1xf32>
    %sub3A = vector.broadcast %reduce_max3A_47 : f32 to vector<6256x8xf32>
    %sub3A_48 = arith.subf %select_n3A, %sub3A : vector<6256x8xf32>
    %exp3A = math.exp %sub3A_48 : vector<6256x8xf32>
    %reduce_sum3A = vector.shape_cast %exp3A : vector<6256x8xf32> to vector<1x6256x8xf32>
    %reduce_sum3A_49 = arith.constant dense<0.000000e+00> : vector<1xf32>
    %reduce_sum3A_50 = vector.multi_reduction <add>, %reduce_sum3A, %reduce_sum3A_49 [1, 2] : vector<1x6256x8xf32> to vector<1xf32>
    %reduce_sum3A_51 = vector.shape_cast %reduce_sum3A_50 : vector<1xf32> to vector<1x1x1xf32>
    %reduce_sum3A_52 = vector.extract %reduce_sum3A_51[0, 0, 0] : f32 from vector<1x1x1xf32>
    %div3A_53 = vector.broadcast %reduce_sum3A_52 : f32 to vector<6256x8xf32>
    %div3A_54 = arith.divf %exp3A, %div3A_53 : vector<6256x8xf32>
    %get3A_55 = arith.constant 0 : index
    %get3A_56 = arith.constant 0 : index
    %get3A_57 = vector.load %arg6[%get3A_55, %get3A_56] : memref<128x8xf32, #tpu.memory_space<vmem>>, vector<128x8xf32>
    %dot_general3A_58 = arith.constant dense<0.000000e+00> : vector<6256x8xf32>
    %dot_general3A_59 = tpu.matmul %max3A_32, %get3A_57, %dot_general3A_58 {dimension_numbers = #tpu.dot_dimension_numbers<[1], [0], [0], [1], [0, 0, 1, 1], [], []>, transpose_lhs_hint = false} : vector<6256x128xf32>, vector<128x8xf32>, vector<6256x8xf32> -> vector<6256x8xf32>
    %mul3A_60 = arith.mulf %dot_general3A_59, %div3A_54 : vector<6256x8xf32>
    %get3A_61 = arith.constant 0 : index
    %get3A_62 = arith.constant 0 : index
    %get3A_63 = vector.load %arg7[%get3A_61, %get3A_62] : memref<1x1xf32, #tpu.memory_space<vmem>>, vector<1x1xf32>
    %add3A_64 = vector.broadcast %get3A_63 : vector<1x1xf32> to vector<6256x8xf32>
    %add3A_65 = arith.addf %mul3A_60, %add3A_64 : vector<6256x8xf32>
    %swap3A = arith.constant 0 : index
    %swap3A_66 = arith.constant 0 : index
    %swap3A_67 = vector.load %arg8[%swap3A, %swap3A_66] : memref<6256x8xf32, #tpu.memory_space<vmem>>, vector<6256x8xf32>
    tpu.vector_store %arg8[%swap3A, %swap3A_66], %add3A_65 {strides = array<i32>} : memref<6256x8xf32, #tpu.memory_space<vmem>>, vector<6256x8xf32>,
    return
  }
}

</mosaic_0001>

<sc_bundles>
// kernel: kernel.5.cloned.1.call-start
scs
__scs_entry_jumppad:
0x0: {  	(pc) =	sbr.rel $0x88, $3  }
0x1: {  	(tag) =	ssettag $0x0;
	lr =	simm.s32 $0x1  }
0x2: {  	[smem:$0x3F9A] =	sst lr;
	_ =	strace $0xD0000000  }
0x3: {  	_ = 	snop  }
0x4: {  	_ = 	snop  }
0x5: {  	_ = 	snop  }
0x6: {  	_ = 	snop  }
0x7: {  	_ = 	snop  }
__scs_overlays_trampoline_lowered:
0x8: {  	[smem:$0x3FA9] =	sst s0  }
0x9: {  	[smem:$0x3FAA] =	sst s1  }
0xa: {  	[smem:$0x3FAB] =	sst s2  }
0xb: {  	[smem:$0x3FAC] =	sst s3  }
0xc: {  	[smem:$0x3FAD] =	sst s4  }
0xd: {  	[smem:$0x3FAE] =	sst s5  }
0xe: {  	[smem:$0x3FAF] =	sst s6  }
0xf: {  	[smem:$0x3FB0] =	sst s7  }
0x10: {  	[smem:$0x3FB1] =	sst s8  }
0x11: {  	[smem:$0x3FB2] =	sst s9;
	s0 =	simm.s32 @!p0 $0x0  }
0x12: {  	s1 =	sld [smem:$0x3F98];
	s0 =	simm.s32 @p0 $0x1  }
0x13: {  	[smem:$0x3FB3] =	sst s0;
	s0 =	simm.s32 @!p1 $0x0  }
0x14: {  	s2 =	sld [smem:$0x3F97];
	s0 =	simm.s32 @p1 $0x1  }
0x15: {  	[smem:$0x3FB4] =	sst s0;
	s0 =	simm.s32 @!p2 $0x0  }
0x16: {  	s3 =	sld [smem:$0x3FDB];
	s0 =	simm.s32 @p2 $0x1  }
0x17: {  	s4 =	simm.s32 $0x1BF5;
	[smem:$0x3FB6] =	sst s0  }
0x18: {  	s0 =	sld [smem:$0x3F99];
	_ =	swait.ge [sflag:s4], $0x0  }
0x19: {  	s7 =	sld [smem:$0x3F9A]  }
0x1a: {  	s8 =	sadd.s32 $0xFFFFE003, lr  }
0x1b: {  	s9 =	sadd.s32 $0xFFFFFEF7, lr;
	s5 =	simm.s32 $0xFFFFFFFF;
	p2 =	slt.u32 s8, $0xFFFFF086  }
0x1c: {  	p1 =	slt.u32 s9, $0xF7A;
	s5 =	simm.s32 @!p2 $0x0  }
0x1d: {  	s5 =	simm.s32 @p1 $0x1;
	p0 =	seq.s32 s7, s2  }
0x1e: {  	s7 =	smul.u32 @!p0 $0xF7A, s2;
	p2 =	seq.s32 @!p0 s5, $0x0  }
0x1f: {  	s9 =	smul.u32 $0xF7A, s1;
	s8 =	simm.s32 @!p0 $0x1BF5;
	p2 =	por !p2, p0  }
0x20: {  	[sflag:s8] =	ssyncset.s32 @!p0 $0xFFFFF086;
	s6 =	sadd.s32 @!p0 s3, s7;
	s7 =	simm.s32 @!p0 $0x108  }
0x21: {  	s3 =	sadd.s32 s3, s9;
	s6 =	sadd.s32 @!p0 $0x88, s6;
	s7 =	simm.s32 @p2 $0x1082  }
0x22: {  	[simem:s7], [sflag:s8] =	dma.local @!p0 [hbm:s6], $0xF7A  }
0x23: {  	s9 =	sor.u32 $0xD0000000, s2;
	s6 =	simm.s32 $0x108;
	_ =	swait.ge @!p0 [sflag:s8], $0x0  }
0x24: {  	s3 =	sadd.s32 $0x88, s3;
	s6 =	simm.s32 @!p1 $0x1082;
	[sflag:s4] =	ssyncset.s32 $0xFFFFF086  }
0x25: {  	[simem:s6], [sflag:s4] =	dma.local [hbm:s3], $0xF7A  }
0x26: {  	[smem:$0x3F9A] =	sst s1;
	(tag) =	ssettag s2;
	_ =	strace s9  }
0x27: {  	s1 =	sld [smem:$0x3FAA]  }
0x28: {  	s2 =	sld [smem:$0x3FAB]  }
0x29: {  	s4 =	sld [smem:$0x3FAD]  }
0x2a: {  	p0 =	seq.s32 s5, $0x0;
	s5 =	sld [smem:$0x3FAE]  }
0x2b: {  	s6 =	sld [smem:$0x3FAF]  }
0x2c: {  	s7 =	sld [smem:$0x3FB0]  }
0x2d: {  	s3 =	simm.s32 $0x108;
	s8 =	sld [smem:$0x3FB1]  }
0x2e: {  	s3 =	simm.s32 @!p0 $0x1082;
	s9 =	sld [smem:$0x3FB2]  }
0x2f: {  	lr =	sadd.s32 s0, s3;
	s0 =	sld [smem:$0x3FA9]  }
0x30: {  	s3 =	sld [smem:$0x3FAC]  }
0x31: {  	[smem:$0x3FB5] =	sst s10  }
0x32: {  	s10 =	sld [smem:$0x3FB3];
	_ =	sdelay $0x3  }
0x33: {  	p0 =	seq.s32 s10, $0x1;
	s10 =	sld [smem:$0x3FB5];
	_ =	sdelay $0x3  }
0x34: {  	[smem:$0x3FB5] =	sst s10  }
0x35: {  	s10 =	sld [smem:$0x3FB4];
	_ =	sdelay $0x3  }
0x36: {  	p1 =	seq.s32 s10, $0x1;
	s10 =	sld [smem:$0x3FB5];
	_ =	sdelay $0x3  }
0x37: {  	[smem:$0x3FB5] =	sst s10  }
0x38: {  	s10 =	sld [smem:$0x3FB6]  }
0x39: {  	_ = 	snop;
	(pc) =	sbr.ind lr, $3  }
0x3a: {  	_ = 	snop  }
0x3b: {  	_ = 	snop  }
0x3c: {  	p2 =	seq.s32 s10, $0x1;
	s10 =	sld [smem:$0x3FB5]  }
0x3d: {  	_ =	shalt  }
0x3e: {  	_ =	shalt  }
0x3f: {  	_ =	shalt  }
0x40: {  	_ =	shalt  }
0x41: {  	_ =	shalt  }
0x42: {  	_ =	shalt  }
0x43: {  	_ =	shalt  }
0x44: {  	_ =	shalt  }
0x45: {  	_ =	shalt  }
0x46: {  	_ =	shalt  }
0x47: {  	_ =	shalt  }
0x48: {  	_ =	shalt  }
0x49: {  	_ =	shalt  }
0x4a: {  	_ =	shalt  }
0x4b: {  	_ =	shalt  }
0x4c: {  	_ =	shalt  }
0x4d: {  	_ =	shalt  }
0x4e: {  	_ =	shalt  }
0x4f: {  	_ =	shalt  }
0x50: {  	_ =	shalt  }
0x51: {  	_ =	shalt  }
0x52: {  	_ =	shalt  }
0x53: {  	_ =	shalt  }
0x54: {  	_ =	shalt  }
0x55: {  	_ =	shalt  }
0x56: {  	_ =	shalt  }
0x57: {  	_ =	shalt  }
0x58: {  	_ =	shalt  }
0x59: {  	_ =	shalt  }
0x5a: {  	_ =	shalt  }
0x5b: {  	_ =	shalt  }
0x5c: {  	_ =	shalt  }
0x5d: {  	_ =	shalt  }
0x5e: {  	_ =	shalt  }
0x5f: {  	_ =	shalt  }
0x60: {  	_ =	shalt  }
0x61: {  	_ =	shalt  }
0x62: {  	_ =	shalt  }
0x63: {  	_ =	shalt  }
0x64: {  	_ =	shalt  }
0x65: {  	_ =	shalt  }
0x66: {  	_ =	shalt  }
0x67: {  	_ =	shalt  }
0x68: {  	_ =	shalt  }
0x69: {  	_ =	shalt  }
0x6a: {  	_ =	shalt  }
0x6b: {  	_ =	shalt  }
0x6c: {  	_ =	shalt  }
0x6d: {  	_ =	shalt  }
0x6e: {  	_ =	shalt  }
0x6f: {  	_ =	shalt  }
0x70: {  	_ =	shalt  }
0x71: {  	_ =	shalt  }
0x72: {  	_ =	shalt  }
0x73: {  	_ =	shalt  }
0x74: {  	_ =	shalt  }
0x75: {  	_ =	shalt  }
0x76: {  	_ =	shalt  }
0x77: {  	_ =	shalt  }
0x78: {  	_ =	shalt  }
0x79: {  	_ =	shalt  }
0x7a: {  	_ =	shalt  }
0x7b: {  	_ =	shalt  }
0x7c: {  	_ =	shalt  }
0x7d: {  	_ =	shalt  }
0x7e: {  	_ =	shalt  }
0x7f: {  	_ =	shalt  }
0x80: {  	_ =	shalt  }
0x81: {  	_ =	shalt  }
0x82: {  	_ =	shalt  }
0x83: {  	_ =	shalt  }
0x84: {  	_ =	shalt  }
0x85: {  	_ =	shalt  }
0x86: {  	_ =	shalt  }
0x87: {  	_ =	shalt  }
.Lfunc_end0:
.L_simem_size_0:
called_computation_lowered:
.L_overlay_start_0:
0x88: {  	s2 =	sld [smem:$0x3FD9]  }
0x89: {  	s3 =	sld [smem:$0x3FFE];
	_ =	sdelay $0x1  }
0x8a: {  	s1 =	srdreg.scid  }
0x8b: {  	s0 =	sand.u32 $0x1, s1  }
0x8c: {  	s16 =	sshll.u32 s0, $0xA;
	s2 =	sadd.s32 s3, s2  }
0x8d: {  	s2 =	sadd.s32 s2, s16  }
0x8e: {  	[smem:$0x3FC1] =	sst s2  }
0x8f: {  	_ = 	snop  }
0x90: {  	(tm) =	ssettm $0x1  }
0x91: {  	s17 =	sld [smem:$0x3FFB];
	_ =	sdelay $0x3  }
0x92: {  	_ =	strace s17  }
0x93: {  	s2 =	sld [smem:$0x3FFC];
	_ =	sdelay $0x3  }
0x94: {  	_ =	strace s2  }
0x95: {  	s2 =	sld [smem:$0x3FFD];
	_ =	sdelay $0x3  }
0x96: {  	_ =	strace s2  }
0x97: {  	_ =	strace $0x8FFFFFFF  }
0x98: {  	s18 =	sld [smem:$0x3FDB];
	_ =	sdelay $0x1  }
0x99: {  	s19 =	simm.s32 $_scs_section_size  }
0x9a: {  	s4 =	simm.s32 $_size__tile_overlayer_lowered;
	s5 =	simm.s32 $_tile_overlayer_lowered  }
0x9b: {  	s22 =	simm.s32 $0x1BFF;
	s21 =	sshll.u32 s5, $0x1;
	s2 =	sadd.s32 s19, s18  }
0x9c: {  	s6 =	simm.s32 $0x0;
	s20 =	sshll.u32 s4, $0x1;
	s4 =	sadd.s32 s21, s2  }
0x9d: {  	[timem:s6], [sflag:s22] =	dma.local [hbm:s4], s20  }
0x9e: {  	_ =	swait.ge [sflag:s22], s20  }
0x9f: {  	s3 =	ssub.s32 $0x0, s20;
	[sflag:s22] =	ssyncset.done $0x0  }
0xa0: {  	[sflag:s22] =	ssyncadd.s32 s3;
	_ =	sdelay $0x1  }
0xa1: {  	s23 =	simm.s32 $0x1B8B  }
0xa2: {  	_ =	swait.ge [sflag:s23], $0x1  }
0xa3: {  	[sflag:s23] =	ssyncset.done $0x0  }
0xa4: {  	s25 =	simm.s32 $0x1B8E;
	s24 =	sld [smem:$0x3FFE];
	[sflag:s23] =	ssyncadd.s32 $0xFFFFFFFF  }
0xa5: {  	s26 =	simm.s32 $execute0_lowered;
	[smem:$0x3FD2] =	sst s25  }
0xa6: {  	s4 =	sshll.u32 s26, $0x1;
	_ =	strace $0x80000046;
	[dreg:$0x1] =	wrdreg $0xFFFFFFFF  }
0xa7: {  	s28 =	simm.s32 $_size_execute0_lowered;
	s2 =	sadd.s32 s2, s4;
	[dreg:$0x0] =	wrdreg $0x0  }
0xa8: {  	s4 =	sshll.u32 s28, $0x1;
	[dreg:$0x2] =	wrdreg s2  }
0xa9: {  	[dreg:$0x3] =	wrdreg s4  }
0xaa: {  	[dreg:$0x4] =	wrdreg $0xC0  }
0xab: {  	_ =	task [dreg:s6], $0x5FFFF  }
0xac: {  	[dreg:$0x1] =	wrdreg $0xFFFFFFFF  }
0xad: {  	[dreg:$0x0] =	wrdreg $0x60  }
0xae: {  	[dreg:$0x2] =	wrdreg s24  }
0xaf: {  	[dreg:$0x3] =	wrdreg $0x9  }
0xb0: {  	_ =	task.clear_ibuf [dreg:s6], $0x4FFFF;
	_ =	strace $0x90000046  }
0xb1: {  	s29 =	simm.s32 $0x9;
	_ =	strace $0x80000048  }
0xb2: {  	_ =	swait.ge [sflag:s29], $0x1  }
0xb3: {  	[sflag:s29] =	ssyncadd.s32 $0xFFFFFFFF  }
0xb4: {  	_ =	strace $0x90000048  }
0xb5: {  	_ =	sfence  }
0xb6: {  	s30 =	sld [smem:$0x0];
	_ =	sdelay $0x2  }
0xb7: {  	s31 =	sshll.u32 s1, $0xD;
	s1 =	sshrl.u32 s1, $0x2  }
0xb8: {  	s3 =	sand.u32 $0x4000, s31;
	s1 =	sadd.s32 s1, s30  }
0xb9: {  	s0 =	sor.u32 s3, s0;
	s1 =	sshll.u32 s1, $0x11  }
0xba: {  	s0 =	sor.u32 s1, s0  }
0xbb: {  	s0 =	sadd.s32 $0x8F2B, s0  }
0xbc: {  	[sflag:s0] =	ssyncadd.remote.s32 $0x1  }
0xbd: {  	_ =	sfence.sel $0xFFFF  }
0xbe: {  	[dreg:$0x0] =	wrdreg $0xFFFFFFFF;
	(pc) =	sbr.abs _section_cstart, $3  }
0xbf: {  	[dreg:$0x1] =	wrdreg $0xFFFFFFFF  }
0xc0: {  	_ =	task.clear_ibuf [dreg:s6], $0x2FFFF;
	_ =	strace $0x9FFFFFFF  }
0xc1: {  	(tm) =	ssettm $0x7FFFFFFF  }
tec
execute0_lowered:
.L_overlay_start_1:
0x0: {  	(tag) =	ssettag $0x1  }
0x1: {  	s1 =	srdreg.scid  }
0x2: {  	s0 =	stileid.u32;
	s6 =	rddreg [dreg:$0x0];
	s2 =	simm.s32 $0x0  }
0x3: {  	s10 =	simm.s32 $0x4380;
	s3 =	sand.u32 $0x1, s1;
	s29 =	sshll.u32 s0, $0x1  }
0x4: {  	[smem:$0x7FF] =	sst s2;
	s30 =	sshll.u32 s0, $0x2;
	s11 =	sor.u32 s3, s29  }
0x5: {  	p0 =	sgt.u32 s0, $0x7;
	s8 =	ssub.s32 $0x2, s3;
	s1 =	smul.u32 $0x61A, s11  }
0x6: {  	s3 =	sshll.u32 s3, $0x1;
	s4 =	smin.u32 s11, $0x10;
	s9 =	sshrl.u32 s8, $0x1  }
0x7: {  	p1 =	sne.s32 s11, $0x1F;
	s11 =	simm.s32 $0x0;
	s5 =	sadd.s32 s4, s1  }
0x8: {  	s3 =	sadd.s32 s4, s3;
	s8 =	ssub.s32 s8, s9;
	s7 =	smul.u32 $0xB, s5  }
0x9: {  	s1 =	rddreg [dreg:$0x1];
	_ =	strace $0x80000047;
	s5 =	sshll.u32 s5, $0x1  }
0xa: {  	s31 =	sadd.s32 s3, s30;
	s5 =	sadd.s32 s5, s6;
	s7 =	sshrl.u32 s7, $0x3  }
0xb: {  	s9 =	smul.u32 $0x3, s31;
	s4 =	sadd.s32 $0x12400, s5;
	s7 =	sadd.s32 s7, s6  }
0xc: {  	v1 =	vimm.f32 $0.0e+00;
	vm0 =	vcmask $0x2F2C;
	s5 =	sadd.s32 $0x13034, s5;
	s6 =	sadd.s32 $0x2AAA0, s6;
	s3 =	sadd.s32 $0x1600, s7  }
0xd: {  	v0 =	vlaneseq.u32;
	v1 =	vsel vm0, $0x3F800000, v1;
	vm0 =	vmmov $0x7ff;
	s7 =	smax.u32 s8, $0x1;
	s8 =	sand.u32 $0x7, s9;
	s9 =	simm.s32 $0x1  }
.LBB2_1:
0xe: {  	v2 =	vadd.s32 s8, v0  }
0xf: {  	[tilespmem:s2], [sflag:$0x1] =	stream.linear.gather [hbm4b:s3+s2], $0x4350, $0x38;
	[tilespmem:$0xA980] =	vst v63  }
0x10: {  	_ =	swait.ge [sflag:s9], $0x4350  }
0x11: {  	[sflag:s9] =	ssyncset.done $0x0  }
0x12: {  	[sflag:s9] =	ssyncadd.s32 $0xFFFFBCB0  }
0x13: {  	v3 =	vld.idx.msk [tilespmem:v2+s2+$0x0], $0xffff  }
0x14: {  	s13 =	sadd.s32 $0xB, s8  }
0x15: {  	s12 =	simm.s32 $0x40;
	s15 =	simm.s32 $0x80;
	s14 =	simm.s32 $0x0;
	v2 =	vadd.s32 s13, v0  }
.LBB2_2:
0x16: {  	p2 =	sne.s32 s15, $0x18680;
	_ =	sdelay $0x1  }
0x17: {  	s16 =	sshra.s32 s14, $0x2;
	s14 =	smov.u32 s12;
	s12 =	smov.u32 s15;
	v3 =	vsel vm0, v3, v1  }
.Ltmp0:
0x18: {  	[tilespmem:s16+$0x4380] =	vst v3;
	(pc) =	sbr.rel @p2 .LBB2_2-.Ltmp0, $3  }
0x19: {  	v3 =	vld.idx.msk [tilespmem:v2+s2+$0x0], $0xffff;
	_ =	sdelay $0x1  }
0x1a: {  	s13 =	sadd.s32 $0xB, s13  }
0x1b: {  	s15 =	sadd.s32 $0x40, s15;
	v2 =	vadd.s32 s13, v0  }
0x1c: {  	_ =	sdelay $0x1  }
0x1d: {  	s13 =	sshra.s32 s14, $0x2;
	v3 =	vsel vm0, v3, v1  }
0x1e: {  	[tilespmem:s13+$0x4380] =	vst v3  }
0x1f: {  	v2 =	vld.idx.msk [tilespmem:v2+s2+$0x0], $0xffff;
	_ =	sdelay $0x4  }
0x20: {  	s12 =	sshra.s32 s12, $0x2;
	v2 =	vsel vm0, v2, v1  }
0x21: {  	[tilespmem:s12+$0x4380] =	vst v2  }
0x22: {  	[hbm4b:s4+s2] =	stream.linear.scatter [tilespmem:s10], [sflag:$0x1], $0x61A0, $0x38;
	[tilespmem:$0xA980] =	vst v63  }
0x23: {  	_ =	swait.ge [sflag:s9], $0x61A0  }
0x24: {  	[sflag:s9] =	ssyncset.done $0x0  }
0x25: {  	s13 =	simm.s32 @!p0 $0xA520;
	s12 =	simm.s32 @!p0 $0x0;
	[sflag:s9] =	ssyncadd.s32 $0xFFFF9E60  }
0x26: {  	[hbm4b:s5+s12] =	stream.linear.scatter @!p0 [tilespmem:s13], [sflag:$0x1], $0x10, $0x38;
	[tilespmem:$0xA980] =	vst v63  }
0x27: {  	s12 =	simm.s32 @!p0 $0x1  }
0x28: {  	_ =	swait.ge @!p0 [sflag:s12], $0x10  }
0x29: {  	[sflag:s12] =	ssyncset.done @!p0 $0x0  }
0x2a: {  	v2 =	vimm.f32 @!p1 $0.0e+00;
	[sflag:s12] =	ssyncadd.s32 @!p0 $0xFFFFFFF0  }
0x2b: {  	[tilespmem:$0xA580] =	vst @!p1 v2  }
0x2c: {  	[tilespmem:$0xA590] =	vst @!p1 v2  }
0x2d: {  	[tilespmem:$0xA5A0] =	vst @!p1 v2  }
0x2e: {  	[tilespmem:$0xA5B0] =	vst @!p1 v2  }
0x2f: {  	[tilespmem:$0xA5C0] =	vst @!p1 v2  }
0x30: {  	[tilespmem:$0xA5D0] =	vst @!p1 v2  }
0x31: {  	[tilespmem:$0xA5E0] =	vst @!p1 v2  }
0x32: {  	[tilespmem:$0xA5F0] =	vst @!p1 v2  }
0x33: {  	[tilespmem:$0xA600] =	vst @!p1 v2  }
0x34: {  	[tilespmem:$0xA610] =	vst @!p1 v2  }
0x35: {  	[tilespmem:$0xA620] =	vst @!p1 v2  }
0x36: {  	[tilespmem:$0xA630] =	vst @!p1 v2  }
0x37: {  	[tilespmem:$0xA640] =	vst @!p1 v2  }
0x38: {  	[tilespmem:$0xA650] =	vst @!p1 v2  }
0x39: {  	[tilespmem:$0xA660] =	vst @!p1 v2  }
0x3a: {  	[tilespmem:$0xA670] =	vst @!p1 v2  }
0x3b: {  	[tilespmem:$0xA680] =	vst @!p1 v2  }
0x3c: {  	[tilespmem:$0xA690] =	vst @!p1 v2  }
0x3d: {  	[tilespmem:$0xA6A0] =	vst @!p1 v2  }
0x3e: {  	[tilespmem:$0xA6B0] =	vst @!p1 v2  }
0x3f: {  	[tilespmem:$0xA6C0] =	vst @!p1 v2  }
0x40: {  	[tilespmem:$0xA6D0] =	vst @!p1 v2  }
0x41: {  	[tilespmem:$0xA6E0] =	vst @!p1 v2  }
0x42: {  	[tilespmem:$0xA6F0] =	vst @!p1 v2  }
0x43: {  	[tilespmem:$0xA700] =	vst @!p1 v2  }
0x44: {  	[tilespmem:$0xA710] =	vst @!p1 v2  }
0x45: {  	[tilespmem:$0xA720] =	vst @!p1 v2  }
0x46: {  	[tilespmem:$0xA730] =	vst @!p1 v2  }
0x47: {  	[tilespmem:$0xA740] =	vst @!p1 v2  }
0x48: {  	[tilespmem:$0xA750] =	vst @!p1 v2  }
0x49: {  	[tilespmem:$0xA760] =	vst @!p1 v2  }
0x4a: {  	[tilespmem:$0xA770] =	vst @!p1 v2  }
0x4b: {  	[tilespmem:$0xA780] =	vst @!p1 v2  }
0x4c: {  	[tilespmem:$0xA790] =	vst @!p1 v2  }
0x4d: {  	[tilespmem:$0xA7A0] =	vst @!p1 v2  }
0x4e: {  	[tilespmem:$0xA7B0] =	vst @!p1 v2  }
0x4f: {  	[tilespmem:$0xA7C0] =	vst @!p1 v2  }
0x50: {  	[tilespmem:$0xA7D0] =	vst @!p1 v2  }
0x51: {  	[tilespmem:$0xA7E0] =	vst @!p1 v2  }
0x52: {  	[tilespmem:$0xA7F0] =	vst @!p1 v2  }
0x53: {  	[tilespmem:$0xA800] =	vst @!p1 v2  }
0x54: {  	[tilespmem:$0xA810] =	vst @!p1 v2  }
0x55: {  	[tilespmem:$0xA820] =	vst @!p1 v2  }
0x56: {  	[tilespmem:$0xA830] =	vst @!p1 v2  }
0x57: {  	[tilespmem:$0xA840] =	vst @!p1 v2  }
0x58: {  	[tilespmem:$0xA850] =	vst @!p1 v2  }
0x59: {  	s11 =	sadd.s32 $0x1, s11;
	[tilespmem:$0xA860] =	vst @!p1 v2  }
0x5a: {  	p2 =	sne.s32 s11, s7;
	s13 =	simm.s32 @!p1 $0xA580;
	s12 =	simm.s32 @!p1 $0x0;
	[tilespmem:$0xA870] =	vst @!p1 v2  }
0x5b: {  	[hbm4b:s6+s12] =	stream.linear.scatter @!p1 [tilespmem:s13], [sflag:$0x1], $0x300, $0x38;
	[tilespmem:$0xA980] =	vst v63  }
.Ltmp1:
0x5c: {  	_ = 	snop;
	(pc) =	sbr.rel @p2 .LBB2_1-.Ltmp1, $4  }
0x5d: {  	s12 =	simm.s32 @!p1 $0x1  }
0x5e: {  	_ =	swait.ge @!p1 [sflag:s12], $0x300  }
0x5f: {  	[sflag:s12] =	ssyncset.done @!p1 $0x0  }
0x60: {  	[sflag:s12] =	ssyncadd.s32 @!p1 $0xFFFFFD00  }
0x61: {  	_ =	sfence.sel $0x180000  }
0x62: {  	[bflag:$0x0] =	sbarrier.arrive $0xFFFF  }
0x63: {  	p0 =	sne.s32 s0, $0x0;
	_ =	strace $0x90000047  }
0x64: {  	s0 =	sadd.s32 @!p0 $0x100000, s1;
	[bflag:$0x2] =	sbarrier.arrive $0xFFFF  }
0x65: {  	[sflag:s0] =	ssyncadd.tile.s32 @!p0 $0x1;
	_ =	shalt  }
.Lfunc_end2:
_tile_overlayer_lowered:
.L_overlay_start_2:
0x66: {  	(tag) =	ssettag $0x2  }
0x67: {  	s0 =	rddreg [dreg:$0x0];
	s2 =	stileid.u32  }
0x68: {  	s1 =	rddreg [dreg:$0x1];
	p0 =	sne.s32 s2, $0x0  }
0x69: {  	s3 =	rddreg [dreg:$0x2];
	[bflag:$0x3] =	sbarrier.arrive $0xFFFF;
	s2 =	simm.s32 @!p0 $0x1C01  }
0x6a: {  	[timem:s3], [sflag:s2] =	dma.local @!p0 [hbm:s0], s1  }
0x6b: {  	s0 =	simm.s32 @!p0 $0x1  }
0x6c: {  	_ =	swait.ge @!p0 [sflag:s0], s1  }
0x6d: {  	s1 =	ssub.s32 @!p0 $0x0, s1;
	[sflag:s0] =	ssyncset.done @!p0 $0x0  }
0x6e: {  	[sflag:s0] =	ssyncadd.s32 @!p0 s1  }
0x6f: {  	[bflag:$0x3] =	sbarrier.arrive $0xFFFF  }
0x70: {  	_ =	shalt  }

// kernel: kernel.8.cloned.1.call-start
scs
__scs_entry_jumppad:
0x0: {  	(pc) =	sbr.rel $0x88, $3  }
0x1: {  	(tag) =	ssettag $0x0;
	lr =	simm.s32 $0x1  }
0x2: {  	[smem:$0x3F9A] =	sst lr;
	_ =	strace $0xD0000000  }
0x3: {  	_ = 	snop  }
0x4: {  	_ = 	snop  }
0x5: {  	_ = 	snop  }
0x6: {  	_ = 	snop  }
0x7: {  	_ = 	snop  }
__scs_overlays_trampoline_lowered:
0x8: {  	[smem:$0x3FA9] =	sst s0  }
0x9: {  	[smem:$0x3FAA] =	sst s1  }
0xa: {  	[smem:$0x3FAB] =	sst s2  }
0xb: {  	[smem:$0x3FAC] =	sst s3  }
0xc: {  	[smem:$0x3FAD] =	sst s4  }
0xd: {  	[smem:$0x3FAE] =	sst s5  }
0xe: {  	[smem:$0x3FAF] =	sst s6  }
0xf: {  	[smem:$0x3FB0] =	sst s7  }
0x10: {  	[smem:$0x3FB1] =	sst s8  }
0x11: {  	[smem:$0x3FB2] =	sst s9;
	s0 =	simm.s32 @!p0 $0x0  }
0x12: {  	s1 =	sld [smem:$0x3F98];
	s0 =	simm.s32 @p0 $0x1  }
0x13: {  	[smem:$0x3FB3] =	sst s0;
	s0 =	simm.s32 @!p1 $0x0  }
0x14: {  	s2 =	sld [smem:$0x3F97];
	s0 =	simm.s32 @p1 $0x1  }
0x15: {  	[smem:$0x3FB4] =	sst s0;
	s0 =	simm.s32 @!p2 $0x0  }
0x16: {  	s3 =	sld [smem:$0x3FDB];
	s0 =	simm.s32 @p2 $0x1  }
0x17: {  	s4 =	simm.s32 $0x1BF5;
	[smem:$0x3FB6] =	sst s0  }
0x18: {  	s0 =	sld [smem:$0x3F99];
	_ =	swait.ge [sflag:s4], $0x0  }
0x19: {  	s7 =	sld [smem:$0x3F9A]  }
0x1a: {  	s8 =	sadd.s32 $0xFFFFE003, lr  }
0x1b: {  	s9 =	sadd.s32 $0xFFFFFEF7, lr;
	s5 =	simm.s32 $0xFFFFFFFF;
	p2 =	slt.u32 s8, $0xFFFFF086  }
0x1c: {  	p1 =	slt.u32 s9, $0xF7A;
	s5 =	simm.s32 @!p2 $0x0  }
0x1d: {  	s5 =	simm.s32 @p1 $0x1;
	p0 =	seq.s32 s7, s2  }
0x1e: {  	s7 =	smul.u32 @!p0 $0xF7A, s2;
	p2 =	seq.s32 @!p0 s5, $0x0  }
0x1f: {  	s9 =	smul.u32 $0xF7A, s1;
	s8 =	simm.s32 @!p0 $0x1BF5;
	p2 =	por !p2, p0  }
0x20: {  	[sflag:s8] =	ssyncset.s32 @!p0 $0xFFFFF086;
	s6 =	sadd.s32 @!p0 s3, s7;
	s7 =	simm.s32 @!p0 $0x108  }
0x21: {  	s3 =	sadd.s32 s3, s9;
	s6 =	sadd.s32 @!p0 $0x88, s6;
	s7 =	simm.s32 @p2 $0x1082  }
0x22: {  	[simem:s7], [sflag:s8] =	dma.local @!p0 [hbm:s6], $0xF7A  }
0x23: {  	s9 =	sor.u32 $0xD0000000, s2;
	s6 =	simm.s32 $0x108;
	_ =	swait.ge @!p0 [sflag:s8], $0x0  }
0x24: {  	s3 =	sadd.s32 $0x88, s3;
	s6 =	simm.s32 @!p1 $0x1082;
	[sflag:s4] =	ssyncset.s32 $0xFFFFF086  }
0x25: {  	[simem:s6], [sflag:s4] =	dma.local [hbm:s3], $0xF7A  }
0x26: {  	[smem:$0x3F9A] =	sst s1;
	(tag) =	ssettag s2;
	_ =	strace s9  }
0x27: {  	s1 =	sld [smem:$0x3FAA]  }
0x28: {  	s2 =	sld [smem:$0x3FAB]  }
0x29: {  	s4 =	sld [smem:$0x3FAD]  }
0x2a: {  	p0 =	seq.s32 s5, $0x0;
	s5 =	sld [smem:$0x3FAE]  }
0x2b: {  	s6 =	sld [smem:$0x3FAF]  }
0x2c: {  	s7 =	sld [smem:$0x3FB0]  }
0x2d: {  	s3 =	simm.s32 $0x108;
	s8 =	sld [smem:$0x3FB1]  }
0x2e: {  	s3 =	simm.s32 @!p0 $0x1082;
	s9 =	sld [smem:$0x3FB2]  }
0x2f: {  	lr =	sadd.s32 s0, s3;
	s0 =	sld [smem:$0x3FA9]  }
0x30: {  	s3 =	sld [smem:$0x3FAC]  }
0x31: {  	[smem:$0x3FB5] =	sst s10  }
0x32: {  	s10 =	sld [smem:$0x3FB3];
	_ =	sdelay $0x3  }
0x33: {  	p0 =	seq.s32 s10, $0x1;
	s10 =	sld [smem:$0x3FB5];
	_ =	sdelay $0x3  }
0x34: {  	[smem:$0x3FB5] =	sst s10  }
0x35: {  	s10 =	sld [smem:$0x3FB4];
	_ =	sdelay $0x3  }
0x36: {  	p1 =	seq.s32 s10, $0x1;
	s10 =	sld [smem:$0x3FB5];
	_ =	sdelay $0x3  }
0x37: {  	[smem:$0x3FB5] =	sst s10  }
0x38: {  	s10 =	sld [smem:$0x3FB6]  }
0x39: {  	_ = 	snop;
	(pc) =	sbr.ind lr, $3  }
0x3a: {  	_ = 	snop  }
0x3b: {  	_ = 	snop  }
0x3c: {  	p2 =	seq.s32 s10, $0x1;
	s10 =	sld [smem:$0x3FB5]  }
0x3d: {  	_ =	shalt  }
0x3e: {  	_ =	shalt  }
0x3f: {  	_ =	shalt  }
0x40: {  	_ =	shalt  }
0x41: {  	_ =	shalt  }
0x42: {  	_ =	shalt  }
0x43: {  	_ =	shalt  }
0x44: {  	_ =	shalt  }
0x45: {  	_ =	shalt  }
0x46: {  	_ =	shalt  }
0x47: {  	_ =	shalt  }
0x48: {  	_ =	shalt  }
0x49: {  	_ =	shalt  }
0x4a: {  	_ =	shalt  }
0x4b: {  	_ =	shalt  }
0x4c: {  	_ =	shalt  }
0x4d: {  	_ =	shalt  }
0x4e: {  	_ =	shalt  }
0x4f: {  	_ =	shalt  }
0x50: {  	_ =	shalt  }
0x51: {  	_ =	shalt  }
0x52: {  	_ =	shalt  }
0x53: {  	_ =	shalt  }
0x54: {  	_ =	shalt  }
0x55: {  	_ =	shalt  }
0x56: {  	_ =	shalt  }
0x57: {  	_ =	shalt  }
0x58: {  	_ =	shalt  }
0x59: {  	_ =	shalt  }
0x5a: {  	_ =	shalt  }
0x5b: {  	_ =	shalt  }
0x5c: {  	_ =	shalt  }
0x5d: {  	_ =	shalt  }
0x5e: {  	_ =	shalt  }
0x5f: {  	_ =	shalt  }
0x60: {  	_ =	shalt  }
0x61: {  	_ =	shalt  }
0x62: {  	_ =	shalt  }
0x63: {  	_ =	shalt  }
0x64: {  	_ =	shalt  }
0x65: {  	_ =	shalt  }
0x66: {  	_ =	shalt  }
0x67: {  	_ =	shalt  }
0x68: {  	_ =	shalt  }
0x69: {  	_ =	shalt  }
0x6a: {  	_ =	shalt  }
0x6b: {  	_ =	shalt  }
0x6c: {  	_ =	shalt  }
0x6d: {  	_ =	shalt  }
0x6e: {  	_ =	shalt  }
0x6f: {  	_ =	shalt  }
0x70: {  	_ =	shalt  }
0x71: {  	_ =	shalt  }
0x72: {  	_ =	shalt  }
0x73: {  	_ =	shalt  }
0x74: {  	_ =	shalt  }
0x75: {  	_ =	shalt  }
0x76: {  	_ =	shalt  }
0x77: {  	_ =	shalt  }
0x78: {  	_ =	shalt  }
0x79: {  	_ =	shalt  }
0x7a: {  	_ =	shalt  }
0x7b: {  	_ =	shalt  }
0x7c: {  	_ =	shalt  }
0x7d: {  	_ =	shalt  }
0x7e: {  	_ =	shalt  }
0x7f: {  	_ =	shalt  }
0x80: {  	_ =	shalt  }
0x81: {  	_ =	shalt  }
0x82: {  	_ =	shalt  }
0x83: {  	_ =	shalt  }
0x84: {  	_ =	shalt  }
0x85: {  	_ =	shalt  }
0x86: {  	_ =	shalt  }
0x87: {  	_ =	shalt  }
.Lfunc_end0:
.L_simem_size_0:
called_computation.1_lowered:
.L_overlay_start_0:
0x88: {  	s2 =	sld [smem:$0x3FD9]  }
0x89: {  	s3 =	sld [smem:$0x3FFE];
	_ =	sdelay $0x1  }
0x8a: {  	s1 =	srdreg.scid  }
0x8b: {  	s0 =	sand.u32 $0x1, s1  }
0x8c: {  	s16 =	sshll.u32 s0, $0xA;
	s2 =	sadd.s32 s3, s2  }
0x8d: {  	s2 =	sadd.s32 s2, s16  }
0x8e: {  	[smem:$0x3FC1] =	sst s2  }
0x8f: {  	_ = 	snop  }
0x90: {  	(tm) =	ssettm $0x1  }
0x91: {  	s17 =	sld [smem:$0x3FFB];
	_ =	sdelay $0x3  }
0x92: {  	_ =	strace s17  }
0x93: {  	s2 =	sld [smem:$0x3FFC];
	_ =	sdelay $0x3  }
0x94: {  	_ =	strace s2  }
0x95: {  	s2 =	sld [smem:$0x3FFD];
	_ =	sdelay $0x3  }
0x96: {  	_ =	strace s2  }
0x97: {  	_ =	strace $0x8FFFFFFF  }
0x98: {  	s18 =	sld [smem:$0x3FDB];
	_ =	sdelay $0x1  }
0x99: {  	s19 =	simm.s32 $_scs_section_size  }
0x9a: {  	s4 =	simm.s32 $_size__tile_overlayer_lowered;
	s5 =	simm.s32 $_tile_overlayer_lowered  }
0x9b: {  	s22 =	simm.s32 $0x1BFF;
	s21 =	sshll.u32 s5, $0x1;
	s2 =	sadd.s32 s19, s18  }
0x9c: {  	s6 =	simm.s32 $0x0;
	s20 =	sshll.u32 s4, $0x1;
	s4 =	sadd.s32 s21, s2  }
0x9d: {  	[timem:s6], [sflag:s22] =	dma.local [hbm:s4], s20  }
0x9e: {  	_ =	swait.ge [sflag:s22], s20  }
0x9f: {  	s3 =	ssub.s32 $0x0, s20;
	[sflag:s22] =	ssyncset.done $0x0  }
0xa0: {  	[sflag:s22] =	ssyncadd.s32 s3;
	_ =	sdelay $0x1  }
0xa1: {  	s23 =	simm.s32 $0x1B8B  }
0xa2: {  	_ =	swait.ge [sflag:s23], $0x1  }
0xa3: {  	[sflag:s23] =	ssyncset.done $0x0  }
0xa4: {  	s25 =	simm.s32 $0x1B8E;
	s24 =	sld [smem:$0x3FFE];
	[sflag:s23] =	ssyncadd.s32 $0xFFFFFFFF  }
0xa5: {  	s26 =	simm.s32 $execute0_lowered;
	[smem:$0x3FD2] =	sst s25  }
0xa6: {  	s4 =	sshll.u32 s26, $0x1;
	_ =	strace $0x80000049;
	[dreg:$0x1] =	wrdreg $0xFFFFFFFF  }
0xa7: {  	s28 =	simm.s32 $_size_execute0_lowered;
	s2 =	sadd.s32 s2, s4;
	[dreg:$0x0] =	wrdreg $0x0  }
0xa8: {  	s4 =	sshll.u32 s28, $0x1;
	[dreg:$0x2] =	wrdreg s2  }
0xa9: {  	[dreg:$0x3] =	wrdreg s4  }
0xaa: {  	[dreg:$0x4] =	wrdreg $0xC0  }
0xab: {  	_ =	task [dreg:s6], $0x5FFFF  }
0xac: {  	[dreg:$0x1] =	wrdreg $0xFFFFFFFF  }
0xad: {  	[dreg:$0x0] =	wrdreg $0x60  }
0xae: {  	[dreg:$0x2] =	wrdreg s24  }
0xaf: {  	[dreg:$0x3] =	wrdreg $0x0  }
0xb0: {  	[dreg:$0x4] =	wrdreg $0x9  }
0xb1: {  	_ =	task.clear_ibuf [dreg:s6], $0x5FFFF;
	_ =	strace $0x90000049  }
0xb2: {  	s29 =	simm.s32 $0x9;
	_ =	strace $0x8000004B  }
0xb3: {  	_ =	swait.ge [sflag:s29], $0x1  }
0xb4: {  	[sflag:s29] =	ssyncadd.s32 $0xFFFFFFFF  }
0xb5: {  	_ =	strace $0x9000004B  }
0xb6: {  	_ =	sfence  }
0xb7: {  	s30 =	sld [smem:$0x0];
	_ =	sdelay $0x2  }
0xb8: {  	s31 =	sshll.u32 s1, $0xD;
	s1 =	sshrl.u32 s1, $0x2  }
0xb9: {  	s3 =	sand.u32 $0x4000, s31;
	s1 =	sadd.s32 s1, s30  }
0xba: {  	s0 =	sor.u32 s3, s0;
	s1 =	sshll.u32 s1, $0x11  }
0xbb: {  	s0 =	sor.u32 s1, s0  }
0xbc: {  	s0 =	sadd.s32 $0x8F2B, s0  }
0xbd: {  	[sflag:s0] =	ssyncadd.remote.s32 $0x1  }
0xbe: {  	_ =	sfence.sel $0xFFFF  }
0xbf: {  	[dreg:$0x0] =	wrdreg $0xFFFFFFFF;
	(pc) =	sbr.abs _section_cstart, $3  }
0xc0: {  	[dreg:$0x1] =	wrdreg $0xFFFFFFFF  }
0xc1: {  	_ =	task.clear_ibuf [dreg:s6], $0x2FFFF;
	_ =	strace $0x9FFFFFFF  }
0xc2: {  	(tm) =	ssettm $0x7FFFFFFF  }
0xc3: {  	_ =	shalt  }
tec
execute0_lowered:
.L_overlay_start_1:
0x0: {  	(tag) =	ssettag $0x1  }
0x1: {  	s0 =	rddreg [dreg:$0x0]  }
0x2: {  	s2 =	rddreg [dreg:$0x1];
	s3 =	simm.s32 $0x0  }
0x3: {  	s1 =	srdreg.scid;
	s11 =	stileid.u32;
	s28 =	simm.s32 $0x1  }
0x4: {  	s29 =	simm.s32 $0x1C3C0;
	s30 =	simm.s32 $0x13590;
	s31 =	simm.s32 $0x1DCC0  }
0x5: {  	s1 =	sand.u32 $0x1, s1;
	s4 =	sshll.u32 s11, $0x1;
	s5 =	smul.u32 $0xC380, s11  }
0x6: {  	[smem:$0x7FF] =	sst s3;
	s8 =	sadd.s32 $0x8C800, s0;
	s26 =	sshll.u32 s11, $0x6  }
0x7: {  	s6 =	sor.u32 s1, s4;
	s7 =	smul.u32 $0xC3800, s1;
	_ =	strace $0x8000004A  }
0x8: {  	s4 =	sadd.s32 $0x12400, s0;
	s9 =	ssub.s32 $0x2, s1;
	p0 =	seq.s32 s1, $0x1  }
0x9: {  	s18 =	sor.u32 $0x1C04, s26;
	s26 =	simm.s32 $0x190;
	s6 =	smul.u32 $0xC350, s6  }
0xa: {  	s1 =	simm.s32 $0xC380;
	s10 =	sshrl.u32 s9, $0x1;
	s14 =	sadd.s32 s5, s2  }
0xb: {  	s7 =	sadd.s32 s5, s7;
	s10 =	ssub.s32 s9, s10;
	s6 =	sshrl.u32 s6, $0x3  }
0xc: {  	s5 =	sshrl.u32 s5, $0x3;
	s9 =	smov.u32 s4;
	s6 =	sadd.s32 s6, s0  }
0xd: {  	s7 =	sshrl.u32 s7, $0x3;
	s9 =	smov.u32 @p0 s8;
	s12 =	sadd.s32 $0x2AC00, s6  }
0xe: {  	s16 =	smax.u32 s10, $0x1;
	s13 =	sadd.s32 $0x5B940, s6;
	[dreg:$0x3] =	wrdreg s12  }
0xf: {  	s8 =	simm.s32 $0x0;
	s19 =	sadd.s32 $0x2B0E2, s6;
	[dreg:$0x4] =	wrdreg s13  }
0x10: {  	s0 =	sadd.s32 s7, s0;
	s20 =	sadd.s32 $0x5BE22, s6;
	[dreg:$0x5] =	wrdreg s19  }
0x11: {  	s17 =	sadd.s32 s9, s5;
	s21 =	sadd.s32 $0x2B5C4, s6;
	[dreg:$0x6] =	wrdreg s20  }
0x12: {  	s5 =	simm.s32 $0x15B10;
	s22 =	sadd.s32 $0x5C304, s6;
	[dreg:$0x7] =	wrdreg s21  }
0x13: {  	s7 =	simm.s32 $0x15E30;
	s23 =	sadd.s32 $0x2BAA6, s6;
	[dreg:$0x8] =	wrdreg s22  }
0x14: {  	s24 =	sadd.s32 $0x5C7E6, s6;
	s25 =	sadd.s32 $0x2BF88, s6;
	[dreg:$0x9] =	wrdreg s23  }
.Ltmp0:
0x15: {  	s6 =	sadd.s32 $0x5CCC8, s6;
	[dreg:$0xa] =	wrdreg s24;
	(pc) =	sbr.rel .LBB2_1-.Ltmp0, $4  }
0x16: {  	s15 =	sadd.s32 $0xA5000, s0;
	s0 =	simm.s32 $0x13720;
	[dreg:$0xb] =	wrdreg s25  }
0x17: {  	[dreg:$0xc] =	wrdreg s6;
	s19 =	simm.s32 $0x111A0;
	s20 =	sshrl.u32 s14, $0x3  }
0x18: {  	s21 =	simm.s32 $0x4;
	s22 =	simm.s32 $0x3;
	s23 =	simm.s32 $0xEA90  }
0x19: {  	s24 =	simm.s32 $0x138B0;
	s25 =	simm.s32 $0x2;
	s6 =	simm.s32 $0x15CA0  }
.LBB2_31:
0x1a: {  	_ =	swait.ge [sflag:s28], $0x1900  }
0x1b: {  	[sflag:s28] =	ssyncset.done $0x0  }
0x1c: {  	s9 =	simm.s32 $0x13400;
	[sflag:s28] =	ssyncadd.s32 $0xFFFFE700  }
0x1d: {  	[spmem:s2] =	stream.indirect.scatter.add.f32 [tilespmem:s29], [sflag:$0x2], $0x10, s9, s26, $0xb8;
	[tilespmem:$0x1F5C0] =	vst v63  }
0x1e: {  	_ =	swait.ge [sflag:s28], $0x1900  }
0x1f: {  	[sflag:s28] =	ssyncset.done $0x0  }
0x20: {  	[sflag:s28] =	ssyncadd.s32 $0xFFFFE700  }
0x21: {  	[spmem:s2] =	stream.indirect.scatter.add.f32 [tilespmem:s31], [sflag:$0x2], $0x10, s30, s26, $0xb8;
	[tilespmem:$0x1F5C0] =	vst v63  }
0x22: {  	_ =	swait.ge [sflag:s28], $0x1900  }
0x23: {  	[sflag:s28] =	ssyncset.done $0x0  }
0x24: {  	s14 =	simm.s32 $0x15FC0;
	[sflag:s28] =	ssyncadd.s32 $0xFFFFE700  }
0x25: {  	[spmem:s2] =	stream.indirect.scatter.add.f32 [tilespmem:s14], [sflag:$0x2], $0x10, s0, s26, $0xb8;
	[tilespmem:$0x1F5C0] =	vst v63  }
0x26: {  	_ =	swait.ge [sflag:s25], $0x1900  }
0x27: {  	[sflag:s25] =	ssyncset.done $0x0  }
0x28: {  	[sflag:s25] =	ssyncadd.s32 $0xFFFFE700  }
0x29: {  	_ =	swait.ge [sflag:s25], $0x1900  }
0x2a: {  	[sflag:s25] =	ssyncset.done $0x0  }
0x2b: {  	[sflag:s25] =	ssyncadd.s32 $0xFFFFE700  }
0x2c: {  	_ =	swait.ge [sflag:s25], $0x1900  }
0x2d: {  	[sflag:s25] =	ssyncset.done $0x0  }
0x2e: {  	[sflag:s25] =	ssyncadd.s32 $0xFFFFE700  }
0x2f: {  	_ =	swait.ge [sflag:s25], $0x1900  }
0x30: {  	[sflag:s25] =	ssyncset.done $0x0  }
0x31: {  	[sflag:s25] =	ssyncadd.s32 $0xFFFFE700  }
0x32: {  	_ =	swait.ge [sflag:s25], $0x1900  }
0x33: {  	[sflag:s25] =	ssyncset.done $0x0  }
0x34: {  	[sflag:s25] =	ssyncadd.s32 $0xFFFFE700  }
0x35: {  	_ =	swait.ge [sflag:s25], $0x1900  }
0x36: {  	s8 =	sadd.s32 $0x1, s8;
	[sflag:s25] =	ssyncset.done $0x0  }
0x37: {  	p0 =	sne.s32 s8, s16;
	[sflag:s25] =	ssyncadd.s32 $0xFFFFE700  }
.Ltmp1:
0x38: {  	[bflag:$0x0] =	sbarrier.arrive $0xFFFF;
	(pc) =	sbr.rel @!p0 .LBB2_32-.Ltmp1, $4  }
0x39: {  	[hbm:s15], [sflag:s18] =	dma.local [spmem:s20], $0x1870  }
0x3a: {  	_ =	swait.ge [sflag:s21], $0x1870  }
0x3b: {  	[sflag:s21] =	ssyncset.done $0x0  }
0x3c: {  	[sflag:s21] =	ssyncadd.s32 $0xFFFFE790  }
.LBB2_1:
0x3d: {  	s9 =	rddreg [dreg:$0x3]  }
0x3e: {  	[tilespmem:s1], [sflag:$0x3] =	stream.linear.gather [hbm4b:s9+s3], $0x2710, $0x38;
	[tilespmem:$0x1F5C0] =	vst v63  }
0x3f: {  	s12 =	rddreg [dreg:$0x4]  }
0x40: {  	[tilespmem:s19], [sflag:$0x3] =	stream.linear.gather [hbm4b:s12+s3], $0x2710, $0x38;
	[tilespmem:$0x1F5C0] =	vst v63  }
0x41: {  	[spmem:s20], [sflag:s18] =	dma.local [hbm:s17], $0x1870  }
0x42: {  	_ =	swait.ge [sflag:s21], $0x1870  }
0x43: {  	[sflag:s21] =	ssyncset.done $0x0  }
0x44: {  	[sflag:s21] =	ssyncadd.s32 $0xFFFFE790  }
0x45: {  	[bflag:$0x0] =	sbarrier.arrive $0xFFFF  }
0x46: {  	_ =	swait.ge [sflag:s22], $0x2710  }
0x47: {  	[sflag:s22] =	ssyncset.done $0x0  }
0x48: {  	[sflag:s22] =	ssyncadd.s32 $0xFFFFD8F0  }
0x49: {  	_ =	swait.ge [sflag:s22], $0x2710  }
.Ltmp2:
0x4a: {  	s10 =	simm.s32 $0xC380;
	[sflag:s22] =	ssyncset.done $0x0;
	(pc) =	sbr.rel .LBB2_2-.Ltmp2, $4  }
0x4b: {  	s11 =	simm.s32 $0x15FC0;
	s13 =	rddreg [dreg:$0x5];
	[sflag:s22] =	ssyncadd.s32 $0xFFFFD8F0  }
0x4c: {  	[tilespmem:s23], [sflag:$0x3] =	stream.linear.gather [hbm4b:s13+s3], $0x2710, $0x38;
	[tilespmem:$0x1F5C0] =	vst v63  }
0x4d: {  	s9 =	simm.s32 $0x10CF0;
	s12 =	simm.s32 $0x0;
	s14 =	rddreg [dreg:$0x6]  }
0x4e: {  	[tilespmem:s24], [sflag:$0x3] =	stream.linear.gather [hbm4b:s14+s3], $0x2710, $0x38;
	[tilespmem:$0x1F5C0] =	vst v63  }
.LBB2_3:
0x4f: {  	s13 =	smul.u32 $0xAB, s12;
	_ =	sdelay $0x1  }
0x50: {  	s13 =	sshrl.u32 s13, $0xA  }
0x51: {  	s13 =	sand.u32 $0x3F, s13  }
0x52: {  	s13 =	smul.u32 $0x6, s13;
	_ =	sdelay $0x1  }
0x53: {  	s13 =	ssub.s32 s12, s13  }
0x54: {  	s13 =	sand.u32 $0xFF, s13  }
0x55: {  	s13 =	smul.u32 $0x6400, s13  }
0x56: {  	_ =	swait.ge [sflag:s25], $0x1900  }
0x57: {  	[sflag:s25] =	ssyncset.done $0x0;
	s13 =	sshrl.u32 s13, $0x2  }
0x58: {  	[sflag:s25] =	ssyncadd.s32 $0xFFFFE700;
	s13 =	sadd.s32 $0x15FC0, s13  }
0x59: {  	[tilespmem:s13], [sflag:$0x1] =	stream.indirect.gather [hbm4b:s4+s26], $0x10, s10, s26, $0xb8;
	[tilespmem:$0x1F5C0] =	vst v63  }
.LBB2_5:
0x5a: {  	s13 =	sadd.s32 $0xFFFFFFFD, s12  }
0x5b: {  	s14 =	sand.u32 $0xFF, s13  }
0x5c: {  	s14 =	smul.u32 $0xAB, s14;
	_ =	sdelay $0x1  }
0x5d: {  	s14 =	sshrl.u32 s14, $0xA  }
0x5e: {  	s14 =	smul.u32 $0x6, s14;
	_ =	sdelay $0x1  }
0x5f: {  	s13 =	ssub.s32 s13, s14  }
0x60: {  	s13 =	sand.u32 $0xFF, s13  }
0x61: {  	s13 =	smul.u32 $0x6400, s13  }
0x62: {  	_ =	swait.ge [sflag:s28], $0x1900  }
0x63: {  	[sflag:s28] =	ssyncset.done $0x0;
	s13 =	sshrl.u32 s13, $0x2  }
0x64: {  	[sflag:s28] =	ssyncadd.s32 $0xFFFFE700;
	s13 =	sadd.s32 $0x15FC0, s13  }
0x65: {  	[spmem:s2] =	stream.indirect.scatter.add.f32 [tilespmem:s13], [sflag:$0x2], $0x10, s9, s26, $0xb8;
	[tilespmem:$0x1F5C0] =	vst v63  }
.LBB2_6:
0x66: {  	s12 =	sadd.s32 $0x1, s12  }
0x67: {  	p0 =	sne.s32 s12, $0x19  }
.Ltmp3:
0x68: {  	_ = 	snop;
	(pc) =	sbr.rel @!p0 .LBB2_7-.Ltmp3, $2  }
0x69: {  	_ =	sdelay $0x2  }
0x6a: {  	s11 =	sadd.s32 $0x1900, s11;
	s10 =	sadd.s32 $0x190, s10;
	s9 =	sadd.s32 $0x190, s9  }
.LBB2_2:
0x6b: {  	p0 =	slt.u32 s12, $0x6  }
.Ltmp4:
0x6c: {  	_ = 	snop;
	(pc) =	sbr.rel @!p0 .LBB2_3-.Ltmp4, $1  }
0x6d: {  	_ =	sdelay $0x3  }
0x6e: {  	p0 =	slt.u32 s12, $0x3  }
.Ltmp5:
0x6f: {  	_ = 	snop;
	(pc) =	sbr.rel @p0 .LBB2_6-.Ltmp5, $4  }
.Ltmp6:
0x70: {  	_ = 	snop;
	(pc) =	sbr.rel @!p0 .LBB2_5-.Ltmp6, $4  }
0x71: {  	_ = 	snop  }
0x72: {  	_ = 	snop  }
0x73: {  	[tilespmem:s11], [sflag:$0x1] =	stream.indirect.gather [hbm4b:s4+s26], $0x10, s10, s26, $0xb8;
	[tilespmem:$0x1F5C0] =	vst v63  }
0x74: {  	_ = 	snop  }
.LBB2_7:
0x75: {  	_ =	swait.ge [sflag:s28], $0x1900  }
0x76: {  	[sflag:s28] =	ssyncset.done $0x0  }
0x77: {  	s9 =	simm.s32 $0x13400;
	[sflag:s28] =	ssyncadd.s32 $0xFFFFE700  }
0x78: {  	[spmem:s2] =	stream.indirect.scatter.add.f32 [tilespmem:s29], [sflag:$0x2], $0x10, s9, s26, $0xb8;
	[tilespmem:$0x1F5C0] =	vst v63  }
0x79: {  	_ =	swait.ge [sflag:s28], $0x1900  }
0x7a: {  	[sflag:s28] =	ssyncset.done $0x0  }
0x7b: {  	[sflag:s28] =	ssyncadd.s32 $0xFFFFE700  }
0x7c: {  	[spmem:s2] =	stream.indirect.scatter.add.f32 [tilespmem:s31], [sflag:$0x2], $0x10, s30, s26, $0xb8;
	[tilespmem:$0x1F5C0] =	vst v63  }
0x7d: {  	_ =	swait.ge [sflag:s28], $0x1900  }
0x7e: {  	[sflag:s28] =	ssyncset.done $0x0  }
0x7f: {  	s10 =	simm.s32 $0x15FC0;
	[sflag:s28] =	ssyncadd.s32 $0xFFFFE700  }
0x80: {  	[spmem:s2] =	stream.indirect.scatter.add.f32 [tilespmem:s10], [sflag:$0x2], $0x10, s0, s26, $0xb8;
	[tilespmem:$0x1F5C0] =	vst v63  }
0x81: {  	_ =	swait.ge [sflag:s25], $0x1900  }
0x82: {  	[sflag:s25] =	ssyncset.done $0x0  }
0x83: {  	[sflag:s25] =	ssyncadd.s32 $0xFFFFE700  }
0x84: {  	_ =	swait.ge [sflag:s25], $0x1900  }
0x85: {  	[sflag:s25] =	ssyncset.done $0x0  }
0x86: {  	[sflag:s25] =	ssyncadd.s32 $0xFFFFE700  }
0x87: {  	_ =	swait.ge [sflag:s25], $0x1900  }
0x88: {  	[sflag:s25] =	ssyncset.done $0x0  }
0x89: {  	[sflag:s25] =	ssyncadd.s32 $0xFFFFE700  }
0x8a: {  	_ =	swait.ge [sflag:s25], $0x1900  }
0x8b: {  	[sflag:s25] =	ssyncset.done $0x0  }
0x8c: {  	[sflag:s25] =	ssyncadd.s32 $0xFFFFE700  }
0x8d: {  	_ =	swait.ge [sflag:s25], $0x1900  }
0x8e: {  	[sflag:s25] =	ssyncset.done $0x0  }
0x8f: {  	[sflag:s25] =	ssyncadd.s32 $0xFFFFE700  }
0x90: {  	_ =	swait.ge [sflag:s25], $0x1900  }
0x91: {  	[sflag:s25] =	ssyncset.done $0x0  }
0x92: {  	[sflag:s25] =	ssyncadd.s32 $0xFFFFE700  }
0x93: {  	_ =	swait.ge [sflag:s22], $0x2710  }
0x94: {  	[sflag:s22] =	ssyncset.done $0x0  }
0x95: {  	[sflag:s22] =	ssyncadd.s32 $0xFFFFD8F0  }
0x96: {  	_ =	swait.ge [sflag:s22], $0x2710  }
.Ltmp7:
0x97: {  	[sflag:s22] =	ssyncset.done $0x0;
	(pc) =	sbr.rel .LBB2_8-.Ltmp7, $4  }
0x98: {  	s11 =	simm.s32 $0x0;
	s12 =	rddreg [dreg:$0x7];
	[sflag:s22] =	ssyncadd.s32 $0xFFFFD8F0  }
0x99: {  	[tilespmem:s1], [sflag:$0x3] =	stream.linear.gather [hbm4b:s12+s11], $0x2710, $0x38;
	[tilespmem:$0x1F5C0] =	vst v63  }
0x9a: {  	s14 =	rddreg [dreg:$0x8];
	s12 =	simm.s32 $0xEA90  }
0x9b: {  	[tilespmem:s19], [sflag:$0x3] =	stream.linear.gather [hbm4b:s14+s11], $0x2710, $0x38;
	[tilespmem:$0x1F5C0] =	vst v63  }
.LBB2_9:
0x9c: {  	s13 =	smul.u32 $0xAB, s11;
	_ =	sdelay $0x1  }
0x9d: {  	s13 =	sshrl.u32 s13, $0xA  }
0x9e: {  	s13 =	sand.u32 $0x3F, s13  }
0x9f: {  	s13 =	smul.u32 $0x6, s13;
	_ =	sdelay $0x1  }
0xa0: {  	s13 =	ssub.s32 s11, s13  }
0xa1: {  	s13 =	sand.u32 $0xFF, s13  }
0xa2: {  	s13 =	smul.u32 $0x6400, s13  }
0xa3: {  	_ =	swait.ge [sflag:s25], $0x1900  }
0xa4: {  	[sflag:s25] =	ssyncset.done $0x0;
	s13 =	sshrl.u32 s13, $0x2  }
0xa5: {  	[sflag:s25] =	ssyncadd.s32 $0xFFFFE700;
	s13 =	sadd.s32 $0x15FC0, s13  }
0xa6: {  	[tilespmem:s13], [sflag:$0x1] =	stream.indirect.gather [hbm4b:s4+s26], $0x10, s12, s26, $0xb8;
	[tilespmem:$0x1F5C0] =	vst v63  }
.LBB2_11:
0xa7: {  	s13 =	sadd.s32 $0xFFFFFFFD, s11  }
0xa8: {  	s14 =	sand.u32 $0xFF, s13  }
0xa9: {  	s14 =	smul.u32 $0xAB, s14;
	_ =	sdelay $0x1  }
0xaa: {  	s14 =	sshrl.u32 s14, $0xA  }
0xab: {  	s14 =	smul.u32 $0x6, s14;
	_ =	sdelay $0x1  }
0xac: {  	s13 =	ssub.s32 s13, s14  }
0xad: {  	s13 =	sand.u32 $0xFF, s13  }
0xae: {  	s13 =	smul.u32 $0x6400, s13  }
0xaf: {  	_ =	swait.ge [sflag:s28], $0x1900  }
0xb0: {  	[sflag:s28] =	ssyncset.done $0x0;
	s13 =	sshrl.u32 s13, $0x2  }
0xb1: {  	[sflag:s28] =	ssyncadd.s32 $0xFFFFE700;
	s13 =	sadd.s32 $0x15FC0, s13  }
0xb2: {  	[spmem:s2] =	stream.indirect.scatter.add.f32 [tilespmem:s13], [sflag:$0x2], $0x10, s9, s26, $0xb8;
	[tilespmem:$0x1F5C0] =	vst v63  }
.LBB2_12:
0xb3: {  	s11 =	sadd.s32 $0x1, s11  }
0xb4: {  	p0 =	sne.s32 s11, $0x19  }
.Ltmp8:
0xb5: {  	_ = 	snop;
	(pc) =	sbr.rel @!p0 .LBB2_13-.Ltmp8, $2  }
0xb6: {  	_ =	sdelay $0x2  }
0xb7: {  	s10 =	sadd.s32 $0x1900, s10;
	s12 =	sadd.s32 $0x190, s12;
	s9 =	sadd.s32 $0x190, s9  }
.LBB2_8:
0xb8: {  	p0 =	slt.u32 s11, $0x6  }
.Ltmp9:
0xb9: {  	_ = 	snop;
	(pc) =	sbr.rel @!p0 .LBB2_9-.Ltmp9, $1  }
0xba: {  	_ =	sdelay $0x3  }
0xbb: {  	p0 =	slt.u32 s11, $0x3  }
.Ltmp10:
0xbc: {  	_ = 	snop;
	(pc) =	sbr.rel @p0 .LBB2_12-.Ltmp10, $4  }
.Ltmp11:
0xbd: {  	_ = 	snop;
	(pc) =	sbr.rel @!p0 .LBB2_11-.Ltmp11, $4  }
0xbe: {  	_ = 	snop  }
0xbf: {  	_ = 	snop  }
0xc0: {  	[tilespmem:s10], [sflag:$0x1] =	stream.indirect.gather [hbm4b:s4+s26], $0x10, s12, s26, $0xb8;
	[tilespmem:$0x1F5C0] =	vst v63  }
0xc1: {  	_ = 	snop  }
.LBB2_13:
0xc2: {  	_ =	swait.ge [sflag:s28], $0x1900  }
0xc3: {  	[sflag:s28] =	ssyncset.done $0x0  }
0xc4: {  	[sflag:s28] =	ssyncadd.s32 $0xFFFFE700  }
0xc5: {  	[spmem:s2] =	stream.indirect.scatter.add.f32 [tilespmem:s29], [sflag:$0x2], $0x10, s5, s26, $0xb8;
	[tilespmem:$0x1F5C0] =	vst v63  }
0xc6: {  	_ =	swait.ge [sflag:s28], $0x1900  }
0xc7: {  	[sflag:s28] =	ssyncset.done $0x0  }
0xc8: {  	[sflag:s28] =	ssyncadd.s32 $0xFFFFE700  }
0xc9: {  	[spmem:s2] =	stream.indirect.scatter.add.f32 [tilespmem:s31], [sflag:$0x2], $0x10, s6, s26, $0xb8;
	[tilespmem:$0x1F5C0] =	vst v63  }
0xca: {  	_ =	swait.ge [sflag:s28], $0x1900  }
0xcb: {  	[sflag:s28] =	ssyncset.done $0x0  }
0xcc: {  	s9 =	simm.s32 $0x15FC0;
	[sflag:s28] =	ssyncadd.s32 $0xFFFFE700  }
0xcd: {  	[spmem:s2] =	stream.indirect.scatter.add.f32 [tilespmem:s9], [sflag:$0x2], $0x10, s7, s26, $0xb8;
	[tilespmem:$0x1F5C0] =	vst v63  }
0xce: {  	_ =	swait.ge [sflag:s25], $0x1900  }
0xcf: {  	[sflag:s25] =	ssyncset.done $0x0  }
0xd0: {  	[sflag:s25] =	ssyncadd.s32 $0xFFFFE700  }
0xd1: {  	_ =	swait.ge [sflag:s25], $0x1900  }
0xd2: {  	[sflag:s25] =	ssyncset.done $0x0  }
0xd3: {  	[sflag:s25] =	ssyncadd.s32 $0xFFFFE700  }
0xd4: {  	_ =	swait.ge [sflag:s25], $0x1900  }
0xd5: {  	[sflag:s25] =	ssyncset.done $0x0  }
0xd6: {  	[sflag:s25] =	ssyncadd.s32 $0xFFFFE700  }
0xd7: {  	_ =	swait.ge [sflag:s25], $0x1900  }
0xd8: {  	[sflag:s25] =	ssyncset.done $0x0  }
0xd9: {  	[sflag:s25] =	ssyncadd.s32 $0xFFFFE700  }
0xda: {  	_ =	swait.ge [sflag:s25], $0x1900  }
0xdb: {  	[sflag:s25] =	ssyncset.done $0x0  }
0xdc: {  	[sflag:s25] =	ssyncadd.s32 $0xFFFFE700  }
0xdd: {  	_ =	swait.ge [sflag:s25], $0x1900  }
0xde: {  	[sflag:s25] =	ssyncset.done $0x0  }
0xdf: {  	[sflag:s25] =	ssyncadd.s32 $0xFFFFE700  }
0xe0: {  	_ =	swait.ge [sflag:s22], $0x2710  }
0xe1: {  	[sflag:s22] =	ssyncset.done $0x0  }
0xe2: {  	[sflag:s22] =	ssyncadd.s32 $0xFFFFD8F0  }
0xe3: {  	_ =	swait.ge [sflag:s22], $0x2710  }
.Ltmp12:
0xe4: {  	[sflag:s22] =	ssyncset.done $0x0;
	(pc) =	sbr.rel .LBB2_14-.Ltmp12, $4  }
0xe5: {  	s10 =	simm.s32 $0x0;
	s11 =	rddreg [dreg:$0x9];
	[sflag:s22] =	ssyncadd.s32 $0xFFFFD8F0  }
0xe6: {  	[tilespmem:s23], [sflag:$0x3] =	stream.linear.gather [hbm4b:s11+s10], $0x2710, $0x38;
	[tilespmem:$0x1F5C0] =	vst v63  }
0xe7: {  	s12 =	simm.s32 $0x10CF0;
	s14 =	rddreg [dreg:$0xa];
	s11 =	simm.s32 $0xC380  }
0xe8: {  	[tilespmem:s24], [sflag:$0x3] =	stream.linear.gather [hbm4b:s14+s10], $0x2710, $0x38;
	[tilespmem:$0x1F5C0] =	vst v63  }
.LBB2_15:
0xe9: {  	s13 =	smul.u32 $0xAB, s10;
	_ =	sdelay $0x1  }
0xea: {  	s13 =	sshrl.u32 s13, $0xA  }
0xeb: {  	s13 =	sand.u32 $0x3F, s13  }
0xec: {  	s13 =	smul.u32 $0x6, s13;
	_ =	sdelay $0x1  }
0xed: {  	s13 =	ssub.s32 s10, s13  }
0xee: {  	s13 =	sand.u32 $0xFF, s13  }
0xef: {  	s13 =	smul.u32 $0x6400, s13  }
0xf0: {  	_ =	swait.ge [sflag:s25], $0x1900  }
0xf1: {  	[sflag:s25] =	ssyncset.done $0x0;
	s13 =	sshrl.u32 s13, $0x2  }
0xf2: {  	[sflag:s25] =	ssyncadd.s32 $0xFFFFE700;
	s13 =	sadd.s32 $0x15FC0, s13  }
0xf3: {  	[tilespmem:s13], [sflag:$0x1] =	stream.indirect.gather [hbm4b:s4+s26], $0x10, s11, s26, $0xb8;
	[tilespmem:$0x1F5C0] =	vst v63  }
.LBB2_17:
0xf4: {  	s13 =	sadd.s32 $0xFFFFFFFD, s10  }
0xf5: {  	s14 =	sand.u32 $0xFF, s13  }
0xf6: {  	s14 =	smul.u32 $0xAB, s14;
	_ =	sdelay $0x1  }
0xf7: {  	s14 =	sshrl.u32 s14, $0xA  }
0xf8: {  	s14 =	smul.u32 $0x6, s14;
	_ =	sdelay $0x1  }
0xf9: {  	s13 =	ssub.s32 s13, s14  }
0xfa: {  	s13 =	sand.u32 $0xFF, s13  }
0xfb: {  	s13 =	smul.u32 $0x6400, s13  }
0xfc: {  	_ =	swait.ge [sflag:s28], $0x1900  }
0xfd: {  	[sflag:s28] =	ssyncset.done $0x0;
	s13 =	sshrl.u32 s13, $0x2  }
0xfe: {  	[sflag:s28] =	ssyncadd.s32 $0xFFFFE700;
	s13 =	sadd.s32 $0x15FC0, s13  }
0xff: {  	[spmem:s2] =	stream.indirect.scatter.add.f32 [tilespmem:s13], [sflag:$0x2], $0x10, s12, s26, $0xb8;
	[tilespmem:$0x1F5C0] =	vst v63  }
.LBB2_18:
0x100: {  	s10 =	sadd.s32 $0x1, s10  }
0x101: {  	p0 =	sne.s32 s10, $0x19  }
.Ltmp13:
0x102: {  	_ = 	snop;
	(pc) =	sbr.rel @!p0 .LBB2_19-.Ltmp13, $2  }
0x103: {  	_ =	sdelay $0x2  }
0x104: {  	s9 =	sadd.s32 $0x1900, s9;
	s11 =	sadd.s32 $0x190, s11;
	s12 =	sadd.s32 $0x190, s12  }
.LBB2_14:
0x105: {  	p0 =	slt.u32 s10, $0x6  }
.Ltmp14:
0x106: {  	_ = 	snop;
	(pc) =	sbr.rel @!p0 .LBB2_15-.Ltmp14, $1  }
0x107: {  	_ =	sdelay $0x3  }
0x108: {  	p0 =	slt.u32 s10, $0x3  }
.Ltmp15:
0x109: {  	_ = 	snop;
	(pc) =	sbr.rel @p0 .LBB2_18-.Ltmp15, $4  }
.Ltmp16:
0x10a: {  	_ = 	snop;
	(pc) =	sbr.rel @!p0 .LBB2_17-.Ltmp16, $4  }
0x10b: {  	_ = 	snop  }
0x10c: {  	_ = 	snop  }
0x10d: {  	[tilespmem:s9], [sflag:$0x1] =	stream.indirect.gather [hbm4b:s4+s26], $0x10, s11, s26, $0xb8;
	[tilespmem:$0x1F5C0] =	vst v63  }
0x10e: {  	_ = 	snop  }
.LBB2_19:
0x10f: {  	_ =	swait.ge [sflag:s28], $0x1900  }
0x110: {  	[sflag:s28] =	ssyncset.done $0x0  }
0x111: {  	s9 =	simm.s32 $0x13400;
	[sflag:s28] =	ssyncadd.s32 $0xFFFFE700  }
0x112: {  	[spmem:s2] =	stream.indirect.scatter.add.f32 [tilespmem:s29], [sflag:$0x2], $0x10, s9, s26, $0xb8;
	[tilespmem:$0x1F5C0] =	vst v63  }
0x113: {  	_ =	swait.ge [sflag:s28], $0x1900  }
0x114: {  	[sflag:s28] =	ssyncset.done $0x0  }
0x115: {  	[sflag:s28] =	ssyncadd.s32 $0xFFFFE700  }
0x116: {  	[spmem:s2] =	stream.indirect.scatter.add.f32 [tilespmem:s31], [sflag:$0x2], $0x10, s30, s26, $0xb8;
	[tilespmem:$0x1F5C0] =	vst v63  }
0x117: {  	_ =	swait.ge [sflag:s28], $0x1900  }
0x118: {  	[sflag:s28] =	ssyncset.done $0x0  }
0x119: {  	s10 =	simm.s32 $0x15FC0;
	[sflag:s28] =	ssyncadd.s32 $0xFFFFE700  }
0x11a: {  	[spmem:s2] =	stream.indirect.scatter.add.f32 [tilespmem:s10], [sflag:$0x2], $0x10, s0, s26, $0xb8;
	[tilespmem:$0x1F5C0] =	vst v63  }
0x11b: {  	_ =	swait.ge [sflag:s25], $0x1900  }
0x11c: {  	[sflag:s25] =	ssyncset.done $0x0  }
0x11d: {  	[sflag:s25] =	ssyncadd.s32 $0xFFFFE700  }
0x11e: {  	_ =	swait.ge [sflag:s25], $0x1900  }
0x11f: {  	[sflag:s25] =	ssyncset.done $0x0  }
0x120: {  	[sflag:s25] =	ssyncadd.s32 $0xFFFFE700  }
0x121: {  	_ =	swait.ge [sflag:s25], $0x1900  }
0x122: {  	[sflag:s25] =	ssyncset.done $0x0  }
0x123: {  	[sflag:s25] =	ssyncadd.s32 $0xFFFFE700  }
0x124: {  	_ =	swait.ge [sflag:s25], $0x1900  }
0x125: {  	[sflag:s25] =	ssyncset.done $0x0  }
0x126: {  	[sflag:s25] =	ssyncadd.s32 $0xFFFFE700  }
0x127: {  	_ =	swait.ge [sflag:s25], $0x1900  }
0x128: {  	[sflag:s25] =	ssyncset.done $0x0  }
0x129: {  	[sflag:s25] =	ssyncadd.s32 $0xFFFFE700  }
0x12a: {  	_ =	swait.ge [sflag:s25], $0x1900  }
0x12b: {  	[sflag:s25] =	ssyncset.done $0x0  }
0x12c: {  	[sflag:s25] =	ssyncadd.s32 $0xFFFFE700  }
0x12d: {  	_ =	swait.ge [sflag:s22], $0x2710  }
0x12e: {  	[sflag:s22] =	ssyncset.done $0x0  }
0x12f: {  	[sflag:s22] =	ssyncadd.s32 $0xFFFFD8F0  }
0x130: {  	_ =	swait.ge [sflag:s22], $0x2710  }
.Ltmp17:
0x131: {  	[sflag:s22] =	ssyncset.done $0x0;
	(pc) =	sbr.rel .LBB2_20-.Ltmp17, $4  }
0x132: {  	s11 =	simm.s32 $0x0;
	s12 =	rddreg [dreg:$0xb];
	[sflag:s22] =	ssyncadd.s32 $0xFFFFD8F0  }
0x133: {  	[tilespmem:s1], [sflag:$0x3] =	stream.linear.gather [hbm4b:s12+s11], $0x2710, $0x38;
	[tilespmem:$0x1F5C0] =	vst v63  }
0x134: {  	s14 =	rddreg [dreg:$0xc];
	s12 =	simm.s32 $0xEA90  }
0x135: {  	[tilespmem:s19], [sflag:$0x3] =	stream.linear.gather [hbm4b:s14+s11], $0x2710, $0x38;
	[tilespmem:$0x1F5C0] =	vst v63  }
.LBB2_21:
0x136: {  	s13 =	smul.u32 $0xAB, s11;
	_ =	sdelay $0x1  }
0x137: {  	s13 =	sshrl.u32 s13, $0xA  }
0x138: {  	s13 =	sand.u32 $0x3F, s13  }
0x139: {  	s13 =	smul.u32 $0x6, s13;
	_ =	sdelay $0x1  }
0x13a: {  	s13 =	ssub.s32 s11, s13  }
0x13b: {  	s13 =	sand.u32 $0xFF, s13  }
0x13c: {  	s13 =	smul.u32 $0x6400, s13  }
0x13d: {  	_ =	swait.ge [sflag:s25], $0x1900  }
0x13e: {  	[sflag:s25] =	ssyncset.done $0x0;
	s13 =	sshrl.u32 s13, $0x2  }
0x13f: {  	[sflag:s25] =	ssyncadd.s32 $0xFFFFE700;
	s13 =	sadd.s32 $0x15FC0, s13  }
0x140: {  	[tilespmem:s13], [sflag:$0x1] =	stream.indirect.gather [hbm4b:s4+s26], $0x10, s12, s26, $0xb8;
	[tilespmem:$0x1F5C0] =	vst v63  }
.LBB2_23:
0x141: {  	s13 =	sadd.s32 $0xFFFFFFFD, s11  }
0x142: {  	s14 =	sand.u32 $0xFF, s13  }
0x143: {  	s14 =	smul.u32 $0xAB, s14;
	_ =	sdelay $0x1  }
0x144: {  	s14 =	sshrl.u32 s14, $0xA  }
0x145: {  	s14 =	smul.u32 $0x6, s14;
	_ =	sdelay $0x1  }
0x146: {  	s13 =	ssub.s32 s13, s14  }
0x147: {  	s13 =	sand.u32 $0xFF, s13  }
0x148: {  	s13 =	smul.u32 $0x6400, s13  }
0x149: {  	_ =	swait.ge [sflag:s28], $0x1900  }
0x14a: {  	[sflag:s28] =	ssyncset.done $0x0;
	s13 =	sshrl.u32 s13, $0x2  }
0x14b: {  	[sflag:s28] =	ssyncadd.s32 $0xFFFFE700;
	s13 =	sadd.s32 $0x15FC0, s13  }
0x14c: {  	[spmem:s2] =	stream.indirect.scatter.add.f32 [tilespmem:s13], [sflag:$0x2], $0x10, s9, s26, $0xb8;
	[tilespmem:$0x1F5C0] =	vst v63  }
.LBB2_24:
0x14d: {  	s11 =	sadd.s32 $0x1, s11  }
0x14e: {  	p0 =	sne.s32 s11, $0x19  }
.Ltmp18:
0x14f: {  	_ = 	snop;
	(pc) =	sbr.rel @!p0 .LBB2_25-.Ltmp18, $2  }
0x150: {  	_ =	sdelay $0x2  }
0x151: {  	s10 =	sadd.s32 $0x1900, s10;
	s12 =	sadd.s32 $0x190, s12;
	s9 =	sadd.s32 $0x190, s9  }
.LBB2_20:
0x152: {  	p0 =	slt.u32 s11, $0x6  }
.Ltmp19:
0x153: {  	_ = 	snop;
	(pc) =	sbr.rel @!p0 .LBB2_21-.Ltmp19, $1  }
0x154: {  	_ =	sdelay $0x3  }
0x155: {  	p0 =	slt.u32 s11, $0x3  }
.Ltmp20:
0x156: {  	_ = 	snop;
	(pc) =	sbr.rel @p0 .LBB2_24-.Ltmp20, $4  }
.Ltmp21:
0x157: {  	_ = 	snop;
	(pc) =	sbr.rel @!p0 .LBB2_23-.Ltmp21, $4  }
0x158: {  	_ = 	snop  }
0x159: {  	_ = 	snop  }
0x15a: {  	[tilespmem:s10], [sflag:$0x1] =	stream.indirect.gather [hbm4b:s4+s26], $0x10, s12, s26, $0xb8;
	[tilespmem:$0x1F5C0] =	vst v63  }
0x15b: {  	_ = 	snop  }
.LBB2_25:
0x15c: {  	_ =	swait.ge [sflag:s28], $0x1900  }
0x15d: {  	[sflag:s28] =	ssyncset.done $0x0  }
0x15e: {  	[sflag:s28] =	ssyncadd.s32 $0xFFFFE700  }
0x15f: {  	[spmem:s2] =	stream.indirect.scatter.add.f32 [tilespmem:s29], [sflag:$0x2], $0x10, s5, s26, $0xb8;
	[tilespmem:$0x1F5C0] =	vst v63  }
0x160: {  	_ =	swait.ge [sflag:s28], $0x1900  }
0x161: {  	[sflag:s28] =	ssyncset.done $0x0  }
0x162: {  	[sflag:s28] =	ssyncadd.s32 $0xFFFFE700  }
0x163: {  	[spmem:s2] =	stream.indirect.scatter.add.f32 [tilespmem:s31], [sflag:$0x2], $0x10, s6, s26, $0xb8;
	[tilespmem:$0x1F5C0] =	vst v63  }
0x164: {  	_ =	swait.ge [sflag:s28], $0x1900  }
0x165: {  	[sflag:s28] =	ssyncset.done $0x0  }
0x166: {  	s9 =	simm.s32 $0x15FC0;
	[sflag:s28] =	ssyncadd.s32 $0xFFFFE700  }
0x167: {  	[spmem:s2] =	stream.indirect.scatter.add.f32 [tilespmem:s9], [sflag:$0x2], $0x10, s7, s26, $0xb8;
	[tilespmem:$0x1F5C0] =	vst v63  }
0x168: {  	_ =	swait.ge [sflag:s25], $0x1900  }
0x169: {  	[sflag:s25] =	ssyncset.done $0x0  }
0x16a: {  	[sflag:s25] =	ssyncadd.s32 $0xFFFFE700  }
0x16b: {  	_ =	swait.ge [sflag:s25], $0x1900  }
0x16c: {  	[sflag:s25] =	ssyncset.done $0x0  }
0x16d: {  	[sflag:s25] =	ssyncadd.s32 $0xFFFFE700  }
0x16e: {  	_ =	swait.ge [sflag:s25], $0x1900  }
0x16f: {  	[sflag:s25] =	ssyncset.done $0x0  }
0x170: {  	[sflag:s25] =	ssyncadd.s32 $0xFFFFE700  }
0x171: {  	_ =	swait.ge [sflag:s25], $0x1900  }
0x172: {  	[sflag:s25] =	ssyncset.done $0x0  }
0x173: {  	[sflag:s25] =	ssyncadd.s32 $0xFFFFE700  }
0x174: {  	_ =	swait.ge [sflag:s25], $0x1900  }
0x175: {  	[sflag:s25] =	ssyncset.done $0x0  }
0x176: {  	[sflag:s25] =	ssyncadd.s32 $0xFFFFE700  }
0x177: {  	_ =	swait.ge [sflag:s25], $0x1900  }
0x178: {  	[sflag:s25] =	ssyncset.done $0x0  }
0x179: {  	[sflag:s25] =	ssyncadd.s32 $0xFFFFE700  }
0x17a: {  	_ =	swait.ge [sflag:s22], $0x2710  }
.Ltmp22:
0x17b: {  	[sflag:s22] =	ssyncset.done $0x0;
	(pc) =	sbr.rel .LBB2_26-.Ltmp22, $4  }
0x17c: {  	[sflag:s22] =	ssyncadd.s32 $0xFFFFD8F0  }
0x17d: {  	_ =	swait.ge [sflag:s22], $0x2710  }
0x17e: {  	s10 =	simm.s32 $0x0;
	[sflag:s22] =	ssyncset.done $0x0  }
0x17f: {  	s11 =	simm.s32 $0xC380;
	s12 =	simm.s32 $0x10CF0;
	[sflag:s22] =	ssyncadd.s32 $0xFFFFD8F0  }
.LBB2_27:
0x180: {  	s13 =	smul.u32 $0xAB, s10;
	_ =	sdelay $0x1  }
0x181: {  	s13 =	sshrl.u32 s13, $0xA  }
0x182: {  	s13 =	sand.u32 $0x3F, s13  }
0x183: {  	s13 =	smul.u32 $0x6, s13;
	_ =	sdelay $0x1  }
0x184: {  	s13 =	ssub.s32 s10, s13  }
0x185: {  	s13 =	sand.u32 $0xFF, s13  }
0x186: {  	s13 =	smul.u32 $0x6400, s13  }
0x187: {  	_ =	swait.ge [sflag:s25], $0x1900  }
0x188: {  	[sflag:s25] =	ssyncset.done $0x0;
	s13 =	sshrl.u32 s13, $0x2  }
0x189: {  	[sflag:s25] =	ssyncadd.s32 $0xFFFFE700;
	s13 =	sadd.s32 $0x15FC0, s13  }
0x18a: {  	[tilespmem:s13], [sflag:$0x1] =	stream.indirect.gather [hbm4b:s4+s26], $0x10, s11, s26, $0xb8;
	[tilespmem:$0x1F5C0] =	vst v63  }
.LBB2_29:
0x18b: {  	s13 =	sadd.s32 $0xFFFFFFFD, s10  }
0x18c: {  	s14 =	sand.u32 $0xFF, s13  }
0x18d: {  	s14 =	smul.u32 $0xAB, s14;
	_ =	sdelay $0x1  }
0x18e: {  	s14 =	sshrl.u32 s14, $0xA  }
0x18f: {  	s14 =	smul.u32 $0x6, s14;
	_ =	sdelay $0x1  }
0x190: {  	s13 =	ssub.s32 s13, s14  }
0x191: {  	s13 =	sand.u32 $0xFF, s13  }
0x192: {  	s13 =	smul.u32 $0x6400, s13  }
0x193: {  	_ =	swait.ge [sflag:s28], $0x1900  }
0x194: {  	[sflag:s28] =	ssyncset.done $0x0;
	s13 =	sshrl.u32 s13, $0x2  }
0x195: {  	[sflag:s28] =	ssyncadd.s32 $0xFFFFE700;
	s13 =	sadd.s32 $0x15FC0, s13  }
0x196: {  	[spmem:s2] =	stream.indirect.scatter.add.f32 [tilespmem:s13], [sflag:$0x2], $0x10, s12, s26, $0xb8;
	[tilespmem:$0x1F5C0] =	vst v63  }
.LBB2_30:
0x197: {  	s10 =	sadd.s32 $0x1, s10  }
0x198: {  	p0 =	sne.s32 s10, $0x19  }
.Ltmp23:
0x199: {  	_ = 	snop;
	(pc) =	sbr.rel @!p0 .LBB2_31-.Ltmp23, $2  }
0x19a: {  	_ =	sdelay $0x2  }
0x19b: {  	s9 =	sadd.s32 $0x1900, s9;
	s11 =	sadd.s32 $0x190, s11;
	s12 =	sadd.s32 $0x190, s12  }
.LBB2_26:
0x19c: {  	p0 =	slt.u32 s10, $0x6  }
.Ltmp24:
0x19d: {  	_ = 	snop;
	(pc) =	sbr.rel @!p0 .LBB2_27-.Ltmp24, $1  }
0x19e: {  	_ =	sdelay $0x3  }
0x19f: {  	p0 =	slt.u32 s10, $0x3  }
.Ltmp25:
0x1a0: {  	_ = 	snop;
	(pc) =	sbr.rel @p0 .LBB2_30-.Ltmp25, $4  }
.Ltmp26:
0x1a1: {  	_ = 	snop;
	(pc) =	sbr.rel @!p0 .LBB2_29-.Ltmp26, $4  }
0x1a2: {  	_ = 	snop  }
0x1a3: {  	_ = 	snop  }
0x1a4: {  	[tilespmem:s9], [sflag:$0x1] =	stream.indirect.gather [hbm4b:s4+s26], $0x10, s11, s26, $0xb8;
	[tilespmem:$0x1F5C0] =	vst v63  }
0x1a5: {  	_ = 	snop  }
.LBB2_32:
0x1a6: {  	_ =	sfence.sel $0x180000  }
0x1a7: {  	[bflag:$0x0] =	sbarrier.arrive $0xFFFF  }
0x1a8: {  	_ =	strace $0x9000004A  }
0x1a9: {  	s0 =	stileid.u32;
	[bflag:$0x2] =	sbarrier.arrive $0xFFFF  }
0x1aa: {  	p0 =	sne.s32 s0, $0x0;
	s0 =	rddreg [dreg:$0x2]  }
0x1ab: {  	s0 =	sadd.s32 @!p0 $0x100000, s0  }
0x1ac: {  	[sflag:s0] =	ssyncadd.tile.s32 @!p0 $0x1;
	_ =	shalt  }
.Lfunc_end2:
_tile_overlayer_lowered:
.L_overlay_start_2:
0x1ad: {  	(tag) =	ssettag $0x2  }
0x1ae: {  	s0 =	rddreg [dreg:$0x0];
	s2 =	stileid.u32  }
0x1af: {  	s1 =	rddreg [dreg:$0x1];
	p0 =	sne.s32 s2, $0x0  }
0x1b0: {  	s3 =	rddreg [dreg:$0x2];
	[bflag:$0x3] =	sbarrier.arrive $0xFFFF;
	s2 =	simm.s32 @!p0 $0x1C04  }
0x1b1: {  	[timem:s3], [sflag:s2] =	dma.local @!p0 [hbm:s0], s1  }
0x1b2: {  	s0 =	simm.s32 @!p0 $0x4  }
0x1b3: {  	_ =	swait.ge @!p0 [sflag:s0], s1  }
0x1b4: {  	s1 =	ssub.s32 @!p0 $0x0, s1;
	[sflag:s0] =	ssyncset.done @!p0 $0x0  }
0x1b5: {  	[sflag:s0] =	ssyncadd.s32 @!p0 s1  }
0x1b6: {  	[bflag:$0x3] =	sbarrier.arrive $0xFFFF  }
0x1b7: {  	_ =	shalt  }

</sc_bundles>
